<compile_context>
chip_gen: v7x
topology: tpu7x:2x2x1
jax: 0.10.2.dev20260603
libtpu: 0.0.44.dev20260713+nightly
codegen_flags: <defaults>
</compile_context>

<pallas_src>
import jax
import jax.numpy as jnp
from jax import lax
from jax.experimental import pallas as pl
from jax.experimental.pallas import tpu as pltpu
from jax.experimental.pallas import tpu_sc as plsc

_N = 10000
_E = 320000
_D = 128
_R = 3
_H = 64

_NC = 2
_NT = 16
_ROWS_PER_SC = _R * _N // _NC
_ACC_ROWS = _ROWS_PER_SC + 8
_EDGES_PER_TILE = _E // _NT
_CHUNK = 32
_BLOCK = 800
_NBLOCK = _EDGES_PER_TILE // _BLOCK
_CPB = _BLOCK // _CHUNK
_ZROWS = 120
_NZB = _ROWS_PER_SC // _ZROWS

_BN = 400


def _msg_body(x_ref, w1_ref, b1_ref, w2_ref, b2_ref, w3_ref, b3_ref, out_ref):
    x = x_ref[...]
    h = jnp.dot(x, w1_ref[0], preferred_element_type=jnp.float32) + b1_ref[0]
    h = jnp.maximum(h, 0.0)
    h = jnp.dot(h, w2_ref[0], preferred_element_type=jnp.float32) + b2_ref[0]
    h = jnp.maximum(h, 0.0)
    m = jnp.dot(h, w3_ref[0], preferred_element_type=jnp.float32) + b3_ref[0]
    out_ref[0] = jnp.maximum(m, 0.0)


def _out_body(x_ref, agg_ref, nt_ref, w1_ref, b1_ref, w2_ref, b2_ref,
              w3_ref, b3_ref, out_ref):
    x = x_ref[...]
    h = jnp.dot(jnp.maximum(x, 0.0), w1_ref[0:_D, :],
                preferred_element_type=jnp.float32)
    h += jnp.dot(agg_ref[0], w1_ref[_D:2 * _D, :],
                 preferred_element_type=jnp.float32)
    h += jnp.dot(agg_ref[1], w1_ref[2 * _D:3 * _D, :],
                 preferred_element_type=jnp.float32)
    h += jnp.dot(agg_ref[2], w1_ref[3 * _D:4 * _D, :],
                 preferred_element_type=jnp.float32)
    h = jnp.maximum(h + b1_ref[...], 0.0)
    h = jnp.dot(h, w2_ref[...], preferred_element_type=jnp.float32)
    h = jnp.maximum(h + b2_ref[...], 0.0)
    o = jnp.dot(h, w3_ref[...], preferred_element_type=jnp.float32)
    o = o + b3_ref[...]
    nt = nt_ref[...]
    upd = (nt == 0) | (nt == 1)
    out_ref[...] = jnp.where(upd, o, x)


def _sc_body(m_hbm, gidx_hbm, sidx_hbm, zeros_hbm, out_hbm,
             gb, sb, rows0, rows1, lidx, acc, semg):
    c = lax.axis_index("c")
    s = lax.axis_index("s")
    nzb = (_NZB - s + _NT - 1) // _NT

    def zinit(i, carry):
        blk = s + i * _NT
        pltpu.sync_copy(zeros_hbm, acc.at[pl.ds(blk * _ZROWS, _ZROWS)])
        return carry

    lax.fori_loop(0, nzb, zinit, 0)
    plsc.subcore_barrier()

    ebase = s * _EDGES_PER_TILE
    lo = c * _ROWS_PER_SC

    def wait_g(rows):
        pltpu.make_async_copy(m_hbm.at[pl.ds(0, _CHUNK)], rows, semg).wait()

    def issue_g(j, rows):
        pltpu.async_copy(m_hbm.at[gb.at[pl.ds(j * _CHUNK, _CHUNK)]], rows,
                         semg)

    def scatter(j, rows):
        for i in range(_CHUNK // 16):
            sv = sb[pl.ds(j * _CHUNK + i * 16, 16)]
            owned = (sv >= lo) & (sv < lo + _ROWS_PER_SC)
            lidx[pl.ds(i * 16, 16)] = jnp.where(owned, sv - lo, _ROWS_PER_SC)
        pltpu.sync_copy(rows, acc.at[lidx], add=True)

    def block_body(b, carry):
        bb = ebase + b * _BLOCK
        pltpu.sync_copy(gidx_hbm.at[pl.ds(bb, _BLOCK)], gb)
        pltpu.sync_copy(sidx_hbm.at[pl.ds(bb, _BLOCK)], sb)
        issue_g(0, rows0)

        def pair(k, carry2):
            j = 2 * k
            wait_g(rows0)
            issue_g(j + 1, rows1)
            scatter(j, rows0)
            wait_g(rows1)
            issue_g(j + 2, rows0)
            scatter(j + 1, rows1)
            return carry2

        lax.fori_loop(0, (_CPB - 1) // 2, pair, 0)
        wait_g(rows0)
        scatter(_CPB - 1, rows0)
        return carry

    lax.fori_loop(0, _NBLOCK, block_body, 0)
    plsc.subcore_barrier()

    def rdout(i, carry):
        blk = s + i * _NT
        pltpu.sync_copy(
            acc.at[pl.ds(blk * _ZROWS, _ZROWS)],
            out_hbm.at[pl.ds(c * _ROWS_PER_SC + blk * _ZROWS, _ZROWS)])
        return carry

    lax.fori_loop(0, nzb, rdout, 0)


def kernel(node_feature, edge_index, edge_type, node_type, rel_W1, rel_b1,
           rel_W2, rel_b2, rel_W3, rel_b3, nu_W1, nu_b1, nu_W2, nu_b2,
           nu_W3, nu_b3):
    mtab = pl.pallas_call(
        _msg_body,
        grid=(_R, _N // _BN),
        in_specs=[
            pl.BlockSpec((_BN, _D), lambda r, n: (n, 0)),
            pl.BlockSpec((1, _D, _H), lambda r, n: (r, 0, 0)),
            pl.BlockSpec((1, 1, _H), lambda r, n: (r, 0, 0)),
            pl.BlockSpec((1, _H, _H), lambda r, n: (r, 0, 0)),
            pl.BlockSpec((1, 1, _H), lambda r, n: (r, 0, 0)),
            pl.BlockSpec((1, _H, _D), lambda r, n: (r, 0, 0)),
            pl.BlockSpec((1, 1, _D), lambda r, n: (r, 0, 0)),
        ],
        out_specs=pl.BlockSpec((1, _BN, _D), lambda r, n: (r, n, 0)),
        out_shape=jax.ShapeDtypeStruct((_R, _N, _D), jnp.float32),
    )(node_feature, rel_W1, rel_b1[:, None], rel_W2, rel_b2[:, None],
      rel_W3, rel_b3[:, None])
    mflat = mtab.reshape(_R * _N, _D)

    gidx = edge_type * _N + edge_index[0]
    sidx = edge_type * _N + edge_index[1]
    zeros = jnp.zeros((_ZROWS, _D), jnp.float32)

    sc_agg = pl.kernel(
        _sc_body,
        out_type=jax.ShapeDtypeStruct((_R * _N, _D), jnp.float32),
        mesh=plsc.VectorSubcoreMesh(core_axis_name="c", subcore_axis_name="s"),
        scratch_types=[
            pltpu.VMEM((_BLOCK,), jnp.int32),
            pltpu.VMEM((_BLOCK,), jnp.int32),
            pltpu.VMEM((_CHUNK, _D), jnp.float32),
            pltpu.VMEM((_CHUNK, _D), jnp.float32),
            pltpu.VMEM((_CHUNK,), jnp.int32),
            pltpu.VMEM_SHARED((_ACC_ROWS, _D), jnp.float32),
            pltpu.SemaphoreType.DMA,
        ],
    )
    agg = sc_agg(mflat, gidx, sidx, zeros).reshape(_R, _N, _D)

    nt2 = node_type.reshape(_N, 1)
    out = pl.pallas_call(
        _out_body,
        grid=(_N // _BN,),
        in_specs=[
            pl.BlockSpec((_BN, _D), lambda n: (n, 0)),
            pl.BlockSpec((_R, _BN, _D), lambda n: (0, n, 0)),
            pl.BlockSpec((_BN, 1), lambda n: (n, 0)),
            pl.BlockSpec((4 * _D, _H), lambda n: (0, 0)),
            pl.BlockSpec((1, _H), lambda n: (0, 0)),
            pl.BlockSpec((_H, _H), lambda n: (0, 0)),
            pl.BlockSpec((1, _H), lambda n: (0, 0)),
            pl.BlockSpec((_H, _D), lambda n: (0, 0)),
            pl.BlockSpec((1, _D), lambda n: (0, 0)),
        ],
        out_specs=pl.BlockSpec((_BN, _D), lambda n: (n, 0)),
        out_shape=jax.ShapeDtypeStruct((_N, _D), jnp.float32),
    )(node_feature, agg, nt2, nu_W1, nu_b1[None], nu_W2, nu_b2[None],
      nu_W3, nu_b3[None])
    return out

# --- scband reference (transcript-rebuilt; emitter-appended) ---
"""Pipeline reference for scband-relational-graph-layer-17033840296196 (READ-ONLY COPY).

The authoritative reference and input builder live on the scoring server;
editing this copy changes nothing except your own understanding.
"""

import jax, jax.numpy as jnp
import numpy as np

N = 10000
E = 320000
D = 128
R = 3
H = 64
UPDATE_NODE_TYPES = (0, 1)
UPDATE_EDGE_TYPES = (0, 1, 2)


def _mlp(x, W1, b1, W2, b2, W3, b3):
    h = jax.nn.relu(x @ W1 + b1)
    h = jax.nn.relu(h @ W2 + b2)
    return h @ W3 + b3


def setup_inputs(seed: int = 0):
    key = jax.random.key(seed)
    ks = jax.random.split(key, 12)
    inp = {}
    inp["node_feature"] = jax.random.normal(ks[0], (N, D), dtype=jnp.float32)
    inp["edge_index"] = jax.random.randint(ks[1], (2, E), 0, N, dtype=jnp.int32)
    inp["edge_type"] = jax.random.randint(ks[2], (E,), 0, R, dtype=jnp.int32)
    inp["node_type"] = jax.random.randint(ks[3], (N,), 0, 2, dtype=jnp.int32)
    inp["rel_W1"] = jax.random.normal(ks[4], (R, D, H), dtype=jnp.float32) / np.sqrt(D)
    inp["rel_b1"] = jnp.zeros((R, H), dtype=jnp.float32)
    inp["rel_W2"] = jax.random.normal(ks[5], (R, H, H), dtype=jnp.float32) / np.sqrt(H)
    inp["rel_b2"] = jnp.zeros((R, H), dtype=jnp.float32)
    inp["rel_W3"] = jax.random.normal(ks[6], (R, H, D), dtype=jnp.float32) / np.sqrt(H)
    inp["rel_b3"] = jnp.zeros((R, D), dtype=jnp.float32)
    inp["nu_W1"] = jax.random.normal(ks[7], (D * (R + 1), H), dtype=jnp.float32) / np.sqrt(D * (R + 1))
    inp["nu_b1"] = jnp.zeros((H,), dtype=jnp.float32)
    inp["nu_W2"] = jax.random.normal(ks[8], (H, H), dtype=jnp.float32) / np.sqrt(H)
    inp["nu_b2"] = jnp.zeros((H,), dtype=jnp.float32)
    inp["nu_W3"] = jax.random.normal(ks[9], (H, D), dtype=jnp.float32) / np.sqrt(H)
    inp["nu_b3"] = jnp.zeros((D,), dtype=jnp.float32)
    return inp


def reference(node_feature, edge_index, edge_type, node_type, rel_W1, rel_b1, rel_W2, rel_b2, rel_W3, rel_b3, nu_W1, nu_b1, nu_W2, nu_b2, nu_W3, nu_b3):
    src = edge_index[0]
    dst = edge_index[1]
    x_src = node_feature[src]
    parts = [jax.nn.relu(node_feature)]
    for i in UPDATE_EDGE_TYPES:
        msg = jax.nn.relu(_mlp(x_src, rel_W1[i], rel_b1[i], rel_W2[i], rel_b2[i], rel_W3[i], rel_b3[i]))
        mask = (edge_type == i).astype(msg.dtype)[:, None]
        agg = jax.ops.segment_sum(msg * mask, dst, num_segments=N)
        parts.append(agg)
    enc = jnp.concatenate(parts, axis=1)
    out = _mlp(enc, nu_W1, nu_b1, nu_W2, nu_b2, nu_W3, nu_b3)
    upd = jnp.any(node_type[:, None] == jnp.asarray(UPDATE_NODE_TYPES)[None, :], axis=1)[:, None]
    return jnp.where(upd, out, node_feature)

if __name__ == "__main__":
    import jax
    _d = setup_inputs()
    print(jax.jit(kernel)(*tuple(_d.values())))

</pallas_src>

<mosaic_0001>
#map = affine_map<(d0, d1) -> (0, 0)>
#map1 = affine_map<(d0, d1) -> (0)>
module attributes {stable_mosaic.version = 14 : i64} {
  func.func @_sc_body(%arg0: i32, %arg1: i32, %arg2: memref<30000x128xf32, #tpu.memory_space<hbm>>, %arg3: memref<320000xi32, #tpu.memory_space<hbm>>, %arg4: memref<320000xi32, #tpu.memory_space<hbm>>, %arg5: memref<120x128xf32, #tpu.memory_space<hbm>>, %arg6: memref<30000x128xf32, #tpu.memory_space<hbm>>, %arg7: memref<800xi32, #tpu.memory_space<vmem>>, %arg8: memref<800xi32, #tpu.memory_space<vmem>>, %arg9: memref<32x128xf32, #tpu.memory_space<vmem>>, %arg10: memref<32x128xf32, #tpu.memory_space<vmem>>, %arg11: memref<32xi32, #tpu.memory_space<vmem>>, %arg12: memref<15008x128xf32, #tpu.memory_space<vmem_shared>>, %arg13: memref<!tpu.dma_semaphore, #tpu.memory_space<semaphore_mem>>) attributes {dimension_semantics = [#tpu.dimension_semantics<core_parallel>, #tpu.dimension_semantics<subcore_parallel>], iteration_bounds = array<i64: 2, 16>, scalar_prefetch = 0 : i64, scratch_operands = 7 : i64, tpu.core_type = #tpu.core_type<sc_vector_subcore>, window_params = [{transform_indices = #map}, {transform_indices = #map1}, {transform_indices = #map1}, {transform_indices = #map}, {transform_indices = #map}]} {
    %sub3A = arith.constant 125 : i32
    %sub3A_0 = arith.subi %sub3A, %arg1 : i32
    %add3A = arith.constant 16 : i32
    %add3A_1 = arith.addi %sub3A_0, %add3A : i32
    %sub3A_2 = arith.constant 1 : i32
    %sub3A_3 = arith.subi %add3A_1, %sub3A_2 : i32
    %jit3A = arith.constant 16 : i32
    %div3A = arith.divsi %sub3A_3, %jit3A : i32
    %sign3A = arith.constant 0 : i32
    %sign3A_4 = arith.cmpi sgt, %sub3A_3, %sign3A : i32
    %sign3A_5 = arith.extui %sign3A_4 : i1 to i32
    %sign3A_6 = arith.constant 0 : i32
    %sign3A_7 = arith.cmpi slt, %sub3A_3, %sign3A_6 : i32
    %sign3A_8 = arith.extui %sign3A_7 : i1 to i32
    %sign3A_9 = arith.subi %sign3A_5, %sign3A_8 : i32
    %sign3A_10 = arith.constant 0 : i32
    %sign3A_11 = arith.cmpi sgt, %jit3A, %sign3A_10 : i32
    %sign3A_12 = arith.extui %sign3A_11 : i1 to i32
    %sign3A_13 = arith.constant 0 : i32
    %sign3A_14 = arith.cmpi slt, %jit3A, %sign3A_13 : i32
    %sign3A_15 = arith.extui %sign3A_14 : i1 to i32
    %sign3A_16 = arith.subi %sign3A_12, %sign3A_15 : i32
    %ne3A = arith.cmpi ne, %sign3A_9, %sign3A_16 : i32
    %rem3A = arith.remsi %sub3A_3, %jit3A : i32
    %ne3A_17 = arith.constant 0 : i32
    %ne3A_18 = arith.cmpi ne, %rem3A, %ne3A_17 : i32
    %and3A = arith.andi %ne3A, %ne3A_18 : i1
    %sub3A_19 = arith.constant 1 : i32
    %sub3A_20 = arith.subi %div3A, %sub3A_19 : i32
    %select_n3A = arith.select %and3A, %sub3A_20, %div3A : i32
    %while3A = arith.constant 0 : i32
    %while3A_21 = arith.constant 0 : i32
    %while3A_22 = arith.subi %select_n3A, %while3A_21 : i32
    %while3A_23 = arith.addi %while3A_21, %while3A_22 : i32
    %while3A_24 = arith.constant 1 : i32
    %while3A_25 = arith.divsi %while3A_22, %while3A_24 : i32
    %while3A_26 = arith.muli %while3A_25, %while3A_24 : i32
    %while3A_27 = arith.addi %while3A_21, %while3A_26 : i32
    %while3A_28 = arith.constant 1 : i32
    scf.for %while3A_49 = %while3A_21 to %while3A_27 step %while3A_28  : i32 {
      %mul3A_50 = arith.constant 16 : i32
      %mul3A_51 = arith.muli %while3A_49, %mul3A_50 : i32
      %add3A_52 = arith.addi %arg1, %mul3A_51 : i32
      %mul3A_53 = arith.constant 120 : i32
      %mul3A_54 = arith.muli %add3A_52, %mul3A_53 : i32
      "tpu.region"() ({
        %run_scoped3A = tpu.sem_alloc : memref<!tpu.dma_semaphore, #tpu.memory_space<semaphore_mem>>
        %dma_start3A = arith.constant 0 : i32
        %dma_start3A_55 = tpu.memref_slice %arg12[%mul3A_54, %dma_start3A] : memref<15008x128xf32, #tpu.memory_space<vmem_shared>> -> memref<120x128xf32, #tpu.memory_space<vmem_shared>>
        tpu.enqueue_dma source(%arg5 : memref<120x128xf32, #tpu.memory_space<hbm>>) target(%dma_start3A_55 : memref<120x128xf32, #tpu.memory_space<vmem_shared>>) target_semaphore(%run_scoped3A : memref<!tpu.dma_semaphore, #tpu.memory_space<semaphore_mem>>)
        %dma_wait3A = arith.constant 0 : i32
        %dma_wait3A_56 = tpu.memref_slice %arg12[%mul3A_54, %dma_wait3A] : memref<15008x128xf32, #tpu.memory_space<vmem_shared>> -> memref<120x128xf32, #tpu.memory_space<vmem_shared>>
        tpu.wait_dma2 semaphore(%run_scoped3A : memref<!tpu.dma_semaphore, #tpu.memory_space<semaphore_mem>>) src(%arg5 : memref<120x128xf32, #tpu.memory_space<hbm>>) dst(%dma_wait3A_56 : memref<120x128xf32, #tpu.memory_space<vmem_shared>>)
        tpu.yield
      }) : () -> ()
    }
    %while3A_29 = arith.constant 1 : i32
    scf.for %while3A_49 = %while3A_27 to %while3A_23 step %while3A_29  : i32 {
      %mul3A_50 = arith.constant 16 : i32
      %mul3A_51 = arith.muli %while3A_49, %mul3A_50 : i32
      %add3A_52 = arith.addi %arg1, %mul3A_51 : i32
      %mul3A_53 = arith.constant 120 : i32
      %mul3A_54 = arith.muli %add3A_52, %mul3A_53 : i32
      "tpu.region"() ({
        %run_scoped3A = tpu.sem_alloc : memref<!tpu.dma_semaphore, #tpu.memory_space<semaphore_mem>>
        %dma_start3A = arith.constant 0 : i32
        %dma_start3A_55 = tpu.memref_slice %arg12[%mul3A_54, %dma_start3A] : memref<15008x128xf32, #tpu.memory_space<vmem_shared>> -> memref<120x128xf32, #tpu.memory_space<vmem_shared>>
        tpu.enqueue_dma source(%arg5 : memref<120x128xf32, #tpu.memory_space<hbm>>) target(%dma_start3A_55 : memref<120x128xf32, #tpu.memory_space<vmem_shared>>) target_semaphore(%run_scoped3A : memref<!tpu.dma_semaphore, #tpu.memory_space<semaphore_mem>>)
        %dma_wait3A = arith.constant 0 : i32
        %dma_wait3A_56 = tpu.memref_slice %arg12[%mul3A_54, %dma_wait3A] : memref<15008x128xf32, #tpu.memory_space<vmem_shared>> -> memref<120x128xf32, #tpu.memory_space<vmem_shared>>
        tpu.wait_dma2 semaphore(%run_scoped3A : memref<!tpu.dma_semaphore, #tpu.memory_space<semaphore_mem>>) src(%arg5 : memref<120x128xf32, #tpu.memory_space<hbm>>) dst(%dma_wait3A_56 : memref<120x128xf32, #tpu.memory_space<vmem_shared>>)
        tpu.yield
      }) : () -> ()
    }
    %barrier3A = arith.constant 0 : index
    tpu.barrier barrier_id(%barrier3A)
    %mul3A = arith.constant 20000 : i32
    %mul3A_30 = arith.muli %arg1, %mul3A : i32
    %mul3A_31 = arith.constant 15000 : i32
    %mul3A_32 = arith.muli %arg0, %mul3A_31 : i32
    %scan3A = arith.constant 0 : i32
    %scan3A_33 = arith.constant 0 : i32
    %scan3A_34 = arith.constant 25 : i32
    %scan3A_35 = arith.addi %scan3A_33, %scan3A_34 : i32
    %scan3A_36 = arith.constant 1 : i32
    scf.for %scan3A_49 = %scan3A_33 to %scan3A_35 step %scan3A_36  : i32 {
      %mul3A_50 = arith.constant 800 : i32
      %mul3A_51 = arith.muli %scan3A_49, %mul3A_50 : i32
      %add3A_52 = arith.addi %mul3A_30, %mul3A_51 : i32
      "tpu.region"() ({
        %run_scoped3A = tpu.sem_alloc : memref<!tpu.dma_semaphore, #tpu.memory_space<semaphore_mem>>
        %dma_start3A_101 = tpu.memref_slice %arg3[%add3A_52] : memref<320000xi32, #tpu.memory_space<hbm>> -> memref<800xi32, #tpu.memory_space<hbm>>
        %dma_start3A_102 = tpu.memref_slice %arg3[%add3A_52] : memref<320000xi32, #tpu.memory_space<hbm>> -> memref<800xi32, #tpu.memory_space<hbm>>
        tpu.enqueue_dma source(%dma_start3A_102 : memref<800xi32, #tpu.memory_space<hbm>>) target(%arg7 : memref<800xi32, #tpu.memory_space<vmem>>) target_semaphore(%run_scoped3A : memref<!tpu.dma_semaphore, #tpu.memory_space<semaphore_mem>>)
        %dma_wait3A_103 = tpu.memref_slice %arg3[%add3A_52] : memref<320000xi32, #tpu.memory_space<hbm>> -> memref<800xi32, #tpu.memory_space<hbm>>
        %dma_wait3A_104 = tpu.memref_slice %arg3[%add3A_52] : memref<320000xi32, #tpu.memory_space<hbm>> -> memref<800xi32, #tpu.memory_space<hbm>>
        tpu.wait_dma2 semaphore(%run_scoped3A : memref<!tpu.dma_semaphore, #tpu.memory_space<semaphore_mem>>) src(%dma_wait3A_104 : memref<800xi32, #tpu.memory_space<hbm>>) dst(%arg7 : memref<800xi32, #tpu.memory_space<vmem>>)
        tpu.yield
      }) : () -> ()
      "tpu.region"() ({
        %run_scoped3A = tpu.sem_alloc : memref<!tpu.dma_semaphore, #tpu.memory_space<semaphore_mem>>
        %dma_start3A_101 = tpu.memref_slice %arg4[%add3A_52] : memref<320000xi32, #tpu.memory_space<hbm>> -> memref<800xi32, #tpu.memory_space<hbm>>
        %dma_start3A_102 = tpu.memref_slice %arg4[%add3A_52] : memref<320000xi32, #tpu.memory_space<hbm>> -> memref<800xi32, #tpu.memory_space<hbm>>
        tpu.enqueue_dma source(%dma_start3A_102 : memref<800xi32, #tpu.memory_space<hbm>>) target(%arg8 : memref<800xi32, #tpu.memory_space<vmem>>) target_semaphore(%run_scoped3A : memref<!tpu.dma_semaphore, #tpu.memory_space<semaphore_mem>>)
        %dma_wait3A_103 = tpu.memref_slice %arg4[%add3A_52] : memref<320000xi32, #tpu.memory_space<hbm>> -> memref<800xi32, #tpu.memory_space<hbm>>
        %dma_wait3A_104 = tpu.memref_slice %arg4[%add3A_52] : memref<320000xi32, #tpu.memory_space<hbm>> -> memref<800xi32, #tpu.memory_space<hbm>>
        tpu.wait_dma2 semaphore(%run_scoped3A : memref<!tpu.dma_semaphore, #tpu.memory_space<semaphore_mem>>) src(%dma_wait3A_104 : memref<800xi32, #tpu.memory_space<hbm>>) dst(%arg8 : memref<800xi32, #tpu.memory_space<vmem>>)
        tpu.yield
      }) : () -> ()
      %dma_start3A = arith.constant 0 : i32
      %dma_start3A_53 = tpu.memref_slice %arg7[%dma_start3A] : memref<800xi32, #tpu.memory_space<vmem>> -> memref<32xi32, #tpu.memory_space<vmem>>
      %dma_start3A_54 = arith.constant 0 : i32
      %dma_start3A_55 = arith.constant 0 : i32
      %dma_start3A_56 = tpu.memref_slice %arg2[%dma_start3A_54, %dma_start3A_55] : memref<30000x128xf32, #tpu.memory_space<hbm>> -> memref<30000x128xf32, #tpu.memory_space<hbm>>
      tpu.enqueue_indirect_dma source(%dma_start3A_56 : memref<30000x128xf32, #tpu.memory_space<hbm>>) target(%arg9 : memref<32x128xf32, #tpu.memory_space<vmem>>) offsets(%dma_start3A_53 : memref<32xi32, #tpu.memory_space<vmem>>) semaphore(%arg13 : memref<!tpu.dma_semaphore, #tpu.memory_space<semaphore_mem>>)
      %scan3A_57 = arith.constant 0 : i32
      %scan3A_58 = arith.constant 0 : i32
      %scan3A_59 = arith.constant 12 : i32
      %scan3A_60 = arith.addi %scan3A_58, %scan3A_59 : i32
      %scan3A_61 = arith.constant 1 : i32
      scf.for %scan3A_101 = %scan3A_58 to %scan3A_60 step %scan3A_61  : i32 {
        %mul3A_102 = arith.constant 2 : i32
        %mul3A_103 = arith.muli %mul3A_102, %scan3A_101 : i32
        %dma_wait3A_104 = arith.constant 0 : i32
        %dma_wait3A_105 = arith.constant 0 : i32
        %dma_wait3A_106 = tpu.memref_slice %arg2[%dma_wait3A_104, %dma_wait3A_105] : memref<30000x128xf32, #tpu.memory_space<hbm>> -> memref<32x128xf32, #tpu.memory_space<hbm>>
        %dma_wait3A_107 = arith.constant 0 : i32
        %dma_wait3A_108 = arith.constant 0 : i32
        %dma_wait3A_109 = tpu.memref_slice %arg2[%dma_wait3A_107, %dma_wait3A_108] : memref<30000x128xf32, #tpu.memory_space<hbm>> -> memref<32x128xf32, #tpu.memory_space<hbm>>
        tpu.wait_dma2 semaphore(%arg13 : memref<!tpu.dma_semaphore, #tpu.memory_space<semaphore_mem>>) src(%dma_wait3A_109 : memref<32x128xf32, #tpu.memory_space<hbm>>) dst(%arg9 : memref<32x128xf32, #tpu.memory_space<vmem>>)
        %add3A_110 = arith.constant 1 : i32
        %add3A_111 = arith.addi %mul3A_103, %add3A_110 : i32
        %mul3A_112 = arith.constant 32 : i32
        %mul3A_113 = arith.muli %add3A_111, %mul3A_112 : i32
        %dma_start3A_114 = tpu.memref_slice %arg7[%mul3A_113] : memref<800xi32, #tpu.memory_space<vmem>> -> memref<32xi32, #tpu.memory_space<vmem>>
        %dma_start3A_115 = arith.constant 0 : i32
        %dma_start3A_116 = arith.constant 0 : i32
        %dma_start3A_117 = tpu.memref_slice %arg2[%dma_start3A_115, %dma_start3A_116] : memref<30000x128xf32, #tpu.memory_space<hbm>> -> memref<30000x128xf32, #tpu.memory_space<hbm>>
        tpu.enqueue_indirect_dma source(%dma_start3A_117 : memref<30000x128xf32, #tpu.memory_space<hbm>>) target(%arg10 : memref<32x128xf32, #tpu.memory_space<vmem>>) offsets(%dma_start3A_114 : memref<32xi32, #tpu.memory_space<vmem>>) semaphore(%arg13 : memref<!tpu.dma_semaphore, #tpu.memory_space<semaphore_mem>>)
        %mul3A_118 = arith.constant 32 : i32
        %mul3A_119 = arith.muli %mul3A_103, %mul3A_118 : i32
        %add3A_120 = arith.constant 0 : i32
        %add3A_121 = arith.addi %mul3A_119, %add3A_120 : i32
        %get3A_122 = arith.index_cast %add3A_121 : i32 to index
        %get3A_123 = tpu.vector_load %arg8[%get3A_122] {strides = array<i32>} : memref<800xi32, #tpu.memory_space<vmem>>, vector<16xi32>,
        %get3A_124 = vector.shape_cast %get3A_123 : vector<16xi32> to vector<16xi32>
        %ge3A_125 = vector.broadcast %mul3A_32 : i32 to vector<16xi32>
        %ge3A_126 = arith.cmpi sge, %get3A_124, %ge3A_125 : vector<16xi32>
        %add3A_127 = arith.constant 15000 : i32
        %add3A_128 = arith.addi %mul3A_32, %add3A_127 : i32
        %lt3A_129 = vector.broadcast %add3A_128 : i32 to vector<16xi32>
        %lt3A_130 = arith.cmpi slt, %get3A_124, %lt3A_129 : vector<16xi32>
        %and3A_131 = arith.andi %ge3A_126, %lt3A_130 : vector<16xi1>
        %sub3A_132 = vector.broadcast %mul3A_32 : i32 to vector<16xi32>
        %sub3A_133 = arith.subi %get3A_124, %sub3A_132 : vector<16xi32>
        %jit3A_134 = arith.constant 15000 : i32
        %broadcast_in_dim3A_135 = vector.broadcast %jit3A_134 : i32 to vector<16xi32>
        %select_n3A_136 = arith.select %and3A_131, %sub3A_133, %broadcast_in_dim3A_135 : vector<16xi1>, vector<16xi32>
        %swap3A_137 = arith.constant 0 : index
        %swap3A_138 = tpu.vector_load %arg11[%swap3A_137] {strides = array<i32>} : memref<32xi32, #tpu.memory_space<vmem>>, vector<16xi32>,
        %swap3A_139 = vector.shape_cast %swap3A_138 : vector<16xi32> to vector<16xi32>
        %swap3A_140 = vector.shape_cast %select_n3A_136 : vector<16xi32> to vector<16xi32>
        tpu.vector_store %arg11[%swap3A_137], %swap3A_140 {strides = array<i32>} : memref<32xi32, #tpu.memory_space<vmem>>, vector<16xi32>,
        %mul3A_141 = arith.constant 32 : i32
        %mul3A_142 = arith.muli %mul3A_103, %mul3A_141 : i32
        %add3A_143 = arith.constant 16 : i32
        %add3A_144 = arith.addi %mul3A_142, %add3A_143 : i32
        %get3A_145 = arith.index_cast %add3A_144 : i32 to index
        %get3A_146 = tpu.vector_load %arg8[%get3A_145] {strides = array<i32>} : memref<800xi32, #tpu.memory_space<vmem>>, vector<16xi32>,
        %get3A_147 = vector.shape_cast %get3A_146 : vector<16xi32> to vector<16xi32>
        %ge3A_148 = vector.broadcast %mul3A_32 : i32 to vector<16xi32>
        %ge3A_149 = arith.cmpi sge, %get3A_147, %ge3A_148 : vector<16xi32>
        %add3A_150 = arith.constant 15000 : i32
        %add3A_151 = arith.addi %mul3A_32, %add3A_150 : i32
        %lt3A_152 = vector.broadcast %add3A_151 : i32 to vector<16xi32>
        %lt3A_153 = arith.cmpi slt, %get3A_147, %lt3A_152 : vector<16xi32>
        %and3A_154 = arith.andi %ge3A_149, %lt3A_153 : vector<16xi1>
        %sub3A_155 = vector.broadcast %mul3A_32 : i32 to vector<16xi32>
        %sub3A_156 = arith.subi %get3A_147, %sub3A_155 : vector<16xi32>
        %jit3A_157 = arith.constant 15000 : i32
        %broadcast_in_dim3A_158 = vector.broadcast %jit3A_157 : i32 to vector<16xi32>
        %select_n3A_159 = arith.select %and3A_154, %sub3A_156, %broadcast_in_dim3A_158 : vector<16xi1>, vector<16xi32>
        %swap3A_160 = arith.constant 16 : index
        %swap3A_161 = tpu.vector_load %arg11[%swap3A_160] {strides = array<i32>} : memref<32xi32, #tpu.memory_space<vmem>>, vector<16xi32>,
        %swap3A_162 = vector.shape_cast %swap3A_161 : vector<16xi32> to vector<16xi32>
        %swap3A_163 = vector.shape_cast %select_n3A_159 : vector<16xi32> to vector<16xi32>
        tpu.vector_store %arg11[%swap3A_160], %swap3A_163 {strides = array<i32>} : memref<32xi32, #tpu.memory_space<vmem>>, vector<16xi32>,
        "tpu.region"() ({
          %run_scoped3A = tpu.sem_alloc : memref<!tpu.dma_semaphore, #tpu.memory_space<semaphore_mem>>
          %dma_start3A_226 = arith.constant 0 : i32
          %dma_start3A_227 = arith.constant 0 : i32
          %dma_start3A_228 = tpu.memref_slice %arg12[%dma_start3A_226, %dma_start3A_227] : memref<15008x128xf32, #tpu.memory_space<vmem_shared>> -> memref<15008x128xf32, #tpu.memory_space<vmem_shared>>
          tpu.enqueue_indirect_dma source(%arg9 : memref<32x128xf32, #tpu.memory_space<vmem>>) target(%dma_start3A_228 : memref<15008x128xf32, #tpu.memory_space<vmem_shared>>) offsets(%arg11 : memref<32xi32, #tpu.memory_space<vmem>>) semaphore(%run_scoped3A : memref<!tpu.dma_semaphore, #tpu.memory_space<semaphore_mem>>) {add = true}
          %dma_wait3A_229 = arith.constant 0 : i32
          %dma_wait3A_230 = arith.constant 0 : i32
          %dma_wait3A_231 = tpu.memref_slice %arg12[%dma_wait3A_229, %dma_wait3A_230] : memref<15008x128xf32, #tpu.memory_space<vmem_shared>> -> memref<15008x128xf32, #tpu.memory_space<vmem_shared>>
          tpu.wait_indirect_dma semaphore(%run_scoped3A : memref<!tpu.dma_semaphore, #tpu.memory_space<semaphore_mem>>) src(%arg9 : memref<32x128xf32, #tpu.memory_space<vmem>>) dst(%dma_wait3A_231 : memref<15008x128xf32, #tpu.memory_space<vmem_shared>>)
          tpu.yield
        }) : () -> ()
        %dma_wait3A_164 = arith.constant 0 : i32
        %dma_wait3A_165 = arith.constant 0 : i32
        %dma_wait3A_166 = tpu.memref_slice %arg2[%dma_wait3A_164, %dma_wait3A_165] : memref<30000x128xf32, #tpu.memory_space<hbm>> -> memref<32x128xf32, #tpu.memory_space<hbm>>
        %dma_wait3A_167 = arith.constant 0 : i32
        %dma_wait3A_168 = arith.constant 0 : i32
        %dma_wait3A_169 = tpu.memref_slice %arg2[%dma_wait3A_167, %dma_wait3A_168] : memref<30000x128xf32, #tpu.memory_space<hbm>> -> memref<32x128xf32, #tpu.memory_space<hbm>>
        tpu.wait_dma2 semaphore(%arg13 : memref<!tpu.dma_semaphore, #tpu.memory_space<semaphore_mem>>) src(%dma_wait3A_169 : memref<32x128xf32, #tpu.memory_space<hbm>>) dst(%arg10 : memref<32x128xf32, #tpu.memory_space<vmem>>)
        %add3A_170 = arith.constant 2 : i32
        %add3A_171 = arith.addi %mul3A_103, %add3A_170 : i32
        %mul3A_172 = arith.constant 32 : i32
        %mul3A_173 = arith.muli %add3A_171, %mul3A_172 : i32
        %dma_start3A_174 = tpu.memref_slice %arg7[%mul3A_173] : memref<800xi32, #tpu.memory_space<vmem>> -> memref<32xi32, #tpu.memory_space<vmem>>
        %dma_start3A_175 = arith.constant 0 : i32
        %dma_start3A_176 = arith.constant 0 : i32
        %dma_start3A_177 = tpu.memref_slice %arg2[%dma_start3A_175, %dma_start3A_176] : memref<30000x128xf32, #tpu.memory_space<hbm>> -> memref<30000x128xf32, #tpu.memory_space<hbm>>
        tpu.enqueue_indirect_dma source(%dma_start3A_177 : memref<30000x128xf32, #tpu.memory_space<hbm>>) target(%arg9 : memref<32x128xf32, #tpu.memory_space<vmem>>) offsets(%dma_start3A_174 : memref<32xi32, #tpu.memory_space<vmem>>) semaphore(%arg13 : memref<!tpu.dma_semaphore, #tpu.memory_space<semaphore_mem>>)
        %add3A_178 = arith.constant 1 : i32
        %add3A_179 = arith.addi %mul3A_103, %add3A_178 : i32
        %mul3A_180 = arith.constant 32 : i32
        %mul3A_181 = arith.muli %add3A_179, %mul3A_180 : i32
        %add3A_182 = arith.constant 0 : i32
        %add3A_183 = arith.addi %mul3A_181, %add3A_182 : i32
        %get3A_184 = arith.index_cast %add3A_183 : i32 to index
        %get3A_185 = tpu.vector_load %arg8[%get3A_184] {strides = array<i32>} : memref<800xi32, #tpu.memory_space<vmem>>, vector<16xi32>,
        %get3A_186 = vector.shape_cast %get3A_185 : vector<16xi32> to vector<16xi32>
        %ge3A_187 = vector.broadcast %mul3A_32 : i32 to vector<16xi32>
        %ge3A_188 = arith.cmpi sge, %get3A_186, %ge3A_187 : vector<16xi32>
        %add3A_189 = arith.constant 15000 : i32
        %add3A_190 = arith.addi %mul3A_32, %add3A_189 : i32
        %lt3A_191 = vector.broadcast %add3A_190 : i32 to vector<16xi32>
        %lt3A_192 = arith.cmpi slt, %get3A_186, %lt3A_191 : vector<16xi32>
        %and3A_193 = arith.andi %ge3A_188, %lt3A_192 : vector<16xi1>
        %sub3A_194 = vector.broadcast %mul3A_32 : i32 to vector<16xi32>
        %sub3A_195 = arith.subi %get3A_186, %sub3A_194 : vector<16xi32>
        %jit3A_196 = arith.constant 15000 : i32
        %broadcast_in_dim3A_197 = vector.broadcast %jit3A_196 : i32 to vector<16xi32>
        %select_n3A_198 = arith.select %and3A_193, %sub3A_195, %broadcast_in_dim3A_197 : vector<16xi1>, vector<16xi32>
        %swap3A_199 = arith.constant 0 : index
        %swap3A_200 = tpu.vector_load %arg11[%swap3A_199] {strides = array<i32>} : memref<32xi32, #tpu.memory_space<vmem>>, vector<16xi32>,
        %swap3A_201 = vector.shape_cast %swap3A_200 : vector<16xi32> to vector<16xi32>
        %swap3A_202 = vector.shape_cast %select_n3A_198 : vector<16xi32> to vector<16xi32>
        tpu.vector_store %arg11[%swap3A_199], %swap3A_202 {strides = array<i32>} : memref<32xi32, #tpu.memory_space<vmem>>, vector<16xi32>,
        %mul3A_203 = arith.constant 32 : i32
        %mul3A_204 = arith.muli %add3A_179, %mul3A_203 : i32
        %add3A_205 = arith.constant 16 : i32
        %add3A_206 = arith.addi %mul3A_204, %add3A_205 : i32
        %get3A_207 = arith.index_cast %add3A_206 : i32 to index
        %get3A_208 = tpu.vector_load %arg8[%get3A_207] {strides = array<i32>} : memref<800xi32, #tpu.memory_space<vmem>>, vector<16xi32>,
        %get3A_209 = vector.shape_cast %get3A_208 : vector<16xi32> to vector<16xi32>
        %ge3A_210 = vector.broadcast %mul3A_32 : i32 to vector<16xi32>
        %ge3A_211 = arith.cmpi sge, %get3A_209, %ge3A_210 : vector<16xi32>
        %add3A_212 = arith.constant 15000 : i32
        %add3A_213 = arith.addi %mul3A_32, %add3A_212 : i32
        %lt3A_214 = vector.broadcast %add3A_213 : i32 to vector<16xi32>
        %lt3A_215 = arith.cmpi slt, %get3A_209, %lt3A_214 : vector<16xi32>
        %and3A_216 = arith.andi %ge3A_211, %lt3A_215 : vector<16xi1>
        %sub3A_217 = vector.broadcast %mul3A_32 : i32 to vector<16xi32>
        %sub3A_218 = arith.subi %get3A_209, %sub3A_217 : vector<16xi32>
        %jit3A_219 = arith.constant 15000 : i32
        %broadcast_in_dim3A_220 = vector.broadcast %jit3A_219 : i32 to vector<16xi32>
        %select_n3A_221 = arith.select %and3A_216, %sub3A_218, %broadcast_in_dim3A_220 : vector<16xi1>, vector<16xi32>
        %swap3A_222 = arith.constant 16 : index
        %swap3A_223 = tpu.vector_load %arg11[%swap3A_222] {strides = array<i32>} : memref<32xi32, #tpu.memory_space<vmem>>, vector<16xi32>,
        %swap3A_224 = vector.shape_cast %swap3A_223 : vector<16xi32> to vector<16xi32>
        %swap3A_225 = vector.shape_cast %select_n3A_221 : vector<16xi32> to vector<16xi32>
        tpu.vector_store %arg11[%swap3A_222], %swap3A_225 {strides = array<i32>} : memref<32xi32, #tpu.memory_space<vmem>>, vector<16xi32>,
        "tpu.region"() ({
          %run_scoped3A = tpu.sem_alloc : memref<!tpu.dma_semaphore, #tpu.memory_space<semaphore_mem>>
          %dma_start3A_226 = arith.constant 0 : i32
          %dma_start3A_227 = arith.constant 0 : i32
          %dma_start3A_228 = tpu.memref_slice %arg12[%dma_start3A_226, %dma_start3A_227] : memref<15008x128xf32, #tpu.memory_space<vmem_shared>> -> memref<15008x128xf32, #tpu.memory_space<vmem_shared>>
          tpu.enqueue_indirect_dma source(%arg10 : memref<32x128xf32, #tpu.memory_space<vmem>>) target(%dma_start3A_228 : memref<15008x128xf32, #tpu.memory_space<vmem_shared>>) offsets(%arg11 : memref<32xi32, #tpu.memory_space<vmem>>) semaphore(%run_scoped3A : memref<!tpu.dma_semaphore, #tpu.memory_space<semaphore_mem>>) {add = true}
          %dma_wait3A_229 = arith.constant 0 : i32
          %dma_wait3A_230 = arith.constant 0 : i32
          %dma_wait3A_231 = tpu.memref_slice %arg12[%dma_wait3A_229, %dma_wait3A_230] : memref<15008x128xf32, #tpu.memory_space<vmem_shared>> -> memref<15008x128xf32, #tpu.memory_space<vmem_shared>>
          tpu.wait_indirect_dma semaphore(%run_scoped3A : memref<!tpu.dma_semaphore, #tpu.memory_space<semaphore_mem>>) src(%arg10 : memref<32x128xf32, #tpu.memory_space<vmem>>) dst(%dma_wait3A_231 : memref<15008x128xf32, #tpu.memory_space<vmem_shared>>)
          tpu.yield
        }) : () -> ()
      }
      %scan3A_62 = arith.constant 12 : i32
      %dma_wait3A = arith.constant 0 : i32
      %dma_wait3A_63 = arith.constant 0 : i32
      %dma_wait3A_64 = tpu.memref_slice %arg2[%dma_wait3A, %dma_wait3A_63] : memref<30000x128xf32, #tpu.memory_space<hbm>> -> memref<32x128xf32, #tpu.memory_space<hbm>>
      %dma_wait3A_65 = arith.constant 0 : i32
      %dma_wait3A_66 = arith.constant 0 : i32
      %dma_wait3A_67 = tpu.memref_slice %arg2[%dma_wait3A_65, %dma_wait3A_66] : memref<30000x128xf32, #tpu.memory_space<hbm>> -> memref<32x128xf32, #tpu.memory_space<hbm>>
      tpu.wait_dma2 semaphore(%arg13 : memref<!tpu.dma_semaphore, #tpu.memory_space<semaphore_mem>>) src(%dma_wait3A_67 : memref<32x128xf32, #tpu.memory_space<hbm>>) dst(%arg9 : memref<32x128xf32, #tpu.memory_space<vmem>>)
      %get3A = arith.constant 768 : index
      %get3A_68 = tpu.vector_load %arg8[%get3A] {strides = array<i32>} : memref<800xi32, #tpu.memory_space<vmem>>, vector<16xi32>,
      %get3A_69 = vector.shape_cast %get3A_68 : vector<16xi32> to vector<16xi32>
      %ge3A = vector.broadcast %mul3A_32 : i32 to vector<16xi32>
      %ge3A_70 = arith.cmpi sge, %get3A_69, %ge3A : vector<16xi32>
      %add3A_71 = arith.constant 15000 : i32
      %add3A_72 = arith.addi %mul3A_32, %add3A_71 : i32
      %lt3A = vector.broadcast %add3A_72 : i32 to vector<16xi32>
      %lt3A_73 = arith.cmpi slt, %get3A_69, %lt3A : vector<16xi32>
      %and3A_74 = arith.andi %ge3A_70, %lt3A_73 : vector<16xi1>
      %sub3A_75 = vector.broadcast %mul3A_32 : i32 to vector<16xi32>
      %sub3A_76 = arith.subi %get3A_69, %sub3A_75 : vector<16xi32>
      %jit3A_77 = arith.constant 15000 : i32
      %broadcast_in_dim3A = vector.broadcast %jit3A_77 : i32 to vector<16xi32>
      %select_n3A_78 = arith.select %and3A_74, %sub3A_76, %broadcast_in_dim3A : vector<16xi1>, vector<16xi32>
      %swap3A = arith.constant 0 : index
      %swap3A_79 = tpu.vector_load %arg11[%swap3A] {strides = array<i32>} : memref<32xi32, #tpu.memory_space<vmem>>, vector<16xi32>,
      %swap3A_80 = vector.shape_cast %swap3A_79 : vector<16xi32> to vector<16xi32>
      %swap3A_81 = vector.shape_cast %select_n3A_78 : vector<16xi32> to vector<16xi32>
      tpu.vector_store %arg11[%swap3A], %swap3A_81 {strides = array<i32>} : memref<32xi32, #tpu.memory_space<vmem>>, vector<16xi32>,
      %get3A_82 = arith.constant 784 : index
      %get3A_83 = tpu.vector_load %arg8[%get3A_82] {strides = array<i32>} : memref<800xi32, #tpu.memory_space<vmem>>, vector<16xi32>,
      %get3A_84 = vector.shape_cast %get3A_83 : vector<16xi32> to vector<16xi32>
      %ge3A_85 = vector.broadcast %mul3A_32 : i32 to vector<16xi32>
      %ge3A_86 = arith.cmpi sge, %get3A_84, %ge3A_85 : vector<16xi32>
      %add3A_87 = arith.constant 15000 : i32
      %add3A_88 = arith.addi %mul3A_32, %add3A_87 : i32
      %lt3A_89 = vector.broadcast %add3A_88 : i32 to vector<16xi32>
      %lt3A_90 = arith.cmpi slt, %get3A_84, %lt3A_89 : vector<16xi32>
      %and3A_91 = arith.andi %ge3A_86, %lt3A_90 : vector<16xi1>
      %sub3A_92 = vector.broadcast %mul3A_32 : i32 to vector<16xi32>
      %sub3A_93 = arith.subi %get3A_84, %sub3A_92 : vector<16xi32>
      %jit3A_94 = arith.constant 15000 : i32
      %broadcast_in_dim3A_95 = vector.broadcast %jit3A_94 : i32 to vector<16xi32>
      %select_n3A_96 = arith.select %and3A_91, %sub3A_93, %broadcast_in_dim3A_95 : vector<16xi1>, vector<16xi32>
      %swap3A_97 = arith.constant 16 : index
      %swap3A_98 = tpu.vector_load %arg11[%swap3A_97] {strides = array<i32>} : memref<32xi32, #tpu.memory_space<vmem>>, vector<16xi32>,
      %swap3A_99 = vector.shape_cast %swap3A_98 : vector<16xi32> to vector<16xi32>
      %swap3A_100 = vector.shape_cast %select_n3A_96 : vector<16xi32> to vector<16xi32>
      tpu.vector_store %arg11[%swap3A_97], %swap3A_100 {strides = array<i32>} : memref<32xi32, #tpu.memory_space<vmem>>, vector<16xi32>,
      "tpu.region"() ({
        %run_scoped3A = tpu.sem_alloc : memref<!tpu.dma_semaphore, #tpu.memory_space<semaphore_mem>>
        %dma_start3A_101 = arith.constant 0 : i32
        %dma_start3A_102 = arith.constant 0 : i32
        %dma_start3A_103 = tpu.memref_slice %arg12[%dma_start3A_101, %dma_start3A_102] : memref<15008x128xf32, #tpu.memory_space<vmem_shared>> -> memref<15008x128xf32, #tpu.memory_space<vmem_shared>>
        tpu.enqueue_indirect_dma source(%arg9 : memref<32x128xf32, #tpu.memory_space<vmem>>) target(%dma_start3A_103 : memref<15008x128xf32, #tpu.memory_space<vmem_shared>>) offsets(%arg11 : memref<32xi32, #tpu.memory_space<vmem>>) semaphore(%run_scoped3A : memref<!tpu.dma_semaphore, #tpu.memory_space<semaphore_mem>>) {add = true}
        %dma_wait3A_104 = arith.constant 0 : i32
        %dma_wait3A_105 = arith.constant 0 : i32
        %dma_wait3A_106 = tpu.memref_slice %arg12[%dma_wait3A_104, %dma_wait3A_105] : memref<15008x128xf32, #tpu.memory_space<vmem_shared>> -> memref<15008x128xf32, #tpu.memory_space<vmem_shared>>
        tpu.wait_indirect_dma semaphore(%run_scoped3A : memref<!tpu.dma_semaphore, #tpu.memory_space<semaphore_mem>>) src(%arg9 : memref<32x128xf32, #tpu.memory_space<vmem>>) dst(%dma_wait3A_106 : memref<15008x128xf32, #tpu.memory_space<vmem_shared>>)
        tpu.yield
      }) : () -> ()
    }
    %scan3A_37 = arith.constant 25 : i32
    %barrier3A_38 = arith.constant 0 : index
    tpu.barrier barrier_id(%barrier3A_38)
    %while3A_39 = arith.constant 0 : i32
    %while3A_40 = arith.constant 0 : i32
    %while3A_41 = arith.subi %select_n3A, %while3A_40 : i32
    %while3A_42 = arith.addi %while3A_40, %while3A_41 : i32
    %while3A_43 = arith.constant 1 : i32
    %while3A_44 = arith.divsi %while3A_41, %while3A_43 : i32
    %while3A_45 = arith.muli %while3A_44, %while3A_43 : i32
    %while3A_46 = arith.addi %while3A_40, %while3A_45 : i32
    %while3A_47 = arith.constant 1 : i32
    scf.for %while3A_49 = %while3A_40 to %while3A_46 step %while3A_47  : i32 {
      %mul3A_50 = arith.constant 16 : i32
      %mul3A_51 = arith.muli %while3A_49, %mul3A_50 : i32
      %add3A_52 = arith.addi %arg1, %mul3A_51 : i32
      %mul3A_53 = arith.constant 120 : i32
      %mul3A_54 = arith.muli %add3A_52, %mul3A_53 : i32
      %mul3A_55 = arith.constant 15000 : i32
      %mul3A_56 = arith.muli %arg0, %mul3A_55 : i32
      %mul3A_57 = arith.constant 120 : i32
      %mul3A_58 = arith.muli %add3A_52, %mul3A_57 : i32
      %add3A_59 = arith.addi %mul3A_56, %mul3A_58 : i32
      "tpu.region"() ({
        %run_scoped3A = tpu.sem_alloc : memref<!tpu.dma_semaphore, #tpu.memory_space<semaphore_mem>>
        %dma_start3A = arith.constant 0 : i32
        %dma_start3A_60 = tpu.memref_slice %arg6[%add3A_59, %dma_start3A] : memref<30000x128xf32, #tpu.memory_space<hbm>> -> memref<120x128xf32, #tpu.memory_space<hbm>>
        %dma_start3A_61 = arith.constant 0 : i32
        %dma_start3A_62 = tpu.memref_slice %arg12[%mul3A_54, %dma_start3A_61] : memref<15008x128xf32, #tpu.memory_space<vmem_shared>> -> memref<120x128xf32, #tpu.memory_space<vmem_shared>>
        tpu.enqueue_dma source(%dma_start3A_62 : memref<120x128xf32, #tpu.memory_space<vmem_shared>>) target(%dma_start3A_60 : memref<120x128xf32, #tpu.memory_space<hbm>>) target_semaphore(%run_scoped3A : memref<!tpu.dma_semaphore, #tpu.memory_space<semaphore_mem>>)
        %dma_wait3A = arith.constant 0 : i32
        %dma_wait3A_63 = tpu.memref_slice %arg6[%add3A_59, %dma_wait3A] : memref<30000x128xf32, #tpu.memory_space<hbm>> -> memref<120x128xf32, #tpu.memory_space<hbm>>
        %dma_wait3A_64 = arith.constant 0 : i32
        %dma_wait3A_65 = tpu.memref_slice %arg12[%mul3A_54, %dma_wait3A_64] : memref<15008x128xf32, #tpu.memory_space<vmem_shared>> -> memref<120x128xf32, #tpu.memory_space<vmem_shared>>
        tpu.wait_dma2 semaphore(%run_scoped3A : memref<!tpu.dma_semaphore, #tpu.memory_space<semaphore_mem>>) src(%dma_wait3A_65 : memref<120x128xf32, #tpu.memory_space<vmem_shared>>) dst(%dma_wait3A_63 : memref<120x128xf32, #tpu.memory_space<hbm>>)
        tpu.yield
      }) : () -> ()
    }
    %while3A_48 = arith.constant 1 : i32
    scf.for %while3A_49 = %while3A_46 to %while3A_42 step %while3A_48  : i32 {
      %mul3A_50 = arith.constant 16 : i32
      %mul3A_51 = arith.muli %while3A_49, %mul3A_50 : i32
      %add3A_52 = arith.addi %arg1, %mul3A_51 : i32
      %mul3A_53 = arith.constant 120 : i32
      %mul3A_54 = arith.muli %add3A_52, %mul3A_53 : i32
      %mul3A_55 = arith.constant 15000 : i32
      %mul3A_56 = arith.muli %arg0, %mul3A_55 : i32
      %mul3A_57 = arith.constant 120 : i32
      %mul3A_58 = arith.muli %add3A_52, %mul3A_57 : i32
      %add3A_59 = arith.addi %mul3A_56, %mul3A_58 : i32
      "tpu.region"() ({
        %run_scoped3A = tpu.sem_alloc : memref<!tpu.dma_semaphore, #tpu.memory_space<semaphore_mem>>
        %dma_start3A = arith.constant 0 : i32
        %dma_start3A_60 = tpu.memref_slice %arg6[%add3A_59, %dma_start3A] : memref<30000x128xf32, #tpu.memory_space<hbm>> -> memref<120x128xf32, #tpu.memory_space<hbm>>
        %dma_start3A_61 = arith.constant 0 : i32
        %dma_start3A_62 = tpu.memref_slice %arg12[%mul3A_54, %dma_start3A_61] : memref<15008x128xf32, #tpu.memory_space<vmem_shared>> -> memref<120x128xf32, #tpu.memory_space<vmem_shared>>
        tpu.enqueue_dma source(%dma_start3A_62 : memref<120x128xf32, #tpu.memory_space<vmem_shared>>) target(%dma_start3A_60 : memref<120x128xf32, #tpu.memory_space<hbm>>) target_semaphore(%run_scoped3A : memref<!tpu.dma_semaphore, #tpu.memory_space<semaphore_mem>>)
        %dma_wait3A = arith.constant 0 : i32
        %dma_wait3A_63 = tpu.memref_slice %arg6[%add3A_59, %dma_wait3A] : memref<30000x128xf32, #tpu.memory_space<hbm>> -> memref<120x128xf32, #tpu.memory_space<hbm>>
        %dma_wait3A_64 = arith.constant 0 : i32
        %dma_wait3A_65 = tpu.memref_slice %arg12[%mul3A_54, %dma_wait3A_64] : memref<15008x128xf32, #tpu.memory_space<vmem_shared>> -> memref<120x128xf32, #tpu.memory_space<vmem_shared>>
        tpu.wait_dma2 semaphore(%run_scoped3A : memref<!tpu.dma_semaphore, #tpu.memory_space<semaphore_mem>>) src(%dma_wait3A_65 : memref<120x128xf32, #tpu.memory_space<vmem_shared>>) dst(%dma_wait3A_63 : memref<120x128xf32, #tpu.memory_space<hbm>>)
        tpu.yield
      }) : () -> ()
    }
    return
  }
}

module attributes {stable_mosaic.version = 14 : i64} {
  func.func @_msg_body(%arg0: i32, %arg1: i32, %arg2: memref<400x128xf32, #tpu.memory_space<vmem>>, %arg3: memref<1x128x64xf32, #tpu.memory_space<vmem>>, %arg4: memref<1x1x64xf32, #tpu.memory_space<vmem>>, %arg5: memref<1x64x64xf32, #tpu.memory_space<vmem>>, %arg6: memref<1x1x64xf32, #tpu.memory_space<vmem>>, %arg7: memref<1x64x128xf32, #tpu.memory_space<vmem>>, %arg8: memref<1x1x128xf32, #tpu.memory_space<vmem>>, %arg9: memref<1x400x128xf32, #tpu.memory_space<vmem>>) attributes {dimension_semantics = [#tpu.dimension_semantics<arbitrary>, #tpu.dimension_semantics<arbitrary>], iteration_bounds = array<i64: 3, 25>, scalar_prefetch = 0 : i64, scratch_operands = 0 : i64, tpu.core_type = #tpu.core_type<tc>, window_params = [{transform_indices = @transform_0, window_bounds = array<i64: 400, 128>}, {transform_indices = @transform_1, window_bounds = array<i64: 1, 128, 64>}, {transform_indices = @transform_2, window_bounds = array<i64: 1, 1, 64>}, {transform_indices = @transform_3, window_bounds = array<i64: 1, 64, 64>}, {transform_indices = @transform_4, window_bounds = array<i64: 1, 1, 64>}, {transform_indices = @transform_5, window_bounds = array<i64: 1, 64, 128>}, {transform_indices = @transform_6, window_bounds = array<i64: 1, 1, 128>}, {transform_indices = @transform_7, window_bounds = array<i64: 1, 400, 128>}]} {
    %get3A = arith.constant 0 : index
    %get3A_0 = arith.constant 0 : index
    %get3A_1 = vector.load %arg2[%get3A, %get3A_0] : memref<400x128xf32, #tpu.memory_space<vmem>>, vector<400x128xf32>
    %get3A_2 = arith.constant 0 : index
    %get3A_3 = arith.constant 0 : index
    %get3A_4 = arith.constant 0 : index
    %get3A_5 = vector.load %arg3[%get3A_2, %get3A_3, %get3A_4] : memref<1x128x64xf32, #tpu.memory_space<vmem>>, vector<1x128x64xf32>
    %get3A_6 = vector.shape_cast %get3A_5 : vector<1x128x64xf32> to vector<128x64xf32>
    %dot_general3A = arith.constant dense<0.000000e+00> : vector<400x64xf32>
    %dot_general3A_7 = tpu.matmul %get3A_1, %get3A_6, %dot_general3A {dimension_numbers = #tpu.dot_dimension_numbers<[1], [0], [0], [1], [0, 0, 1, 1], [], []>, transpose_lhs_hint = false} : vector<400x128xf32>, vector<128x64xf32>, vector<400x64xf32> -> vector<400x64xf32>
    %get3A_8 = arith.constant 0 : index
    %get3A_9 = arith.constant 0 : index
    %get3A_10 = arith.constant 0 : index
    %get3A_11 = vector.load %arg4[%get3A_8, %get3A_9, %get3A_10] : memref<1x1x64xf32, #tpu.memory_space<vmem>>, vector<1x1x64xf32>
    %get3A_12 = vector.shape_cast %get3A_11 : vector<1x1x64xf32> to vector<1x64xf32>
    %add3A = vector.broadcast %get3A_12 : vector<1x64xf32> to vector<400x64xf32>
    %add3A_13 = arith.addf %dot_general3A_7, %add3A : vector<400x64xf32>
    %max3A = arith.constant 0.000000e+00 : f32
    %max3A_14 = vector.broadcast %max3A : f32 to vector<400x64xf32>
    %max3A_15 = arith.maximumf %add3A_13, %max3A_14 : vector<400x64xf32>
    %get3A_16 = arith.constant 0 : index
    %get3A_17 = arith.constant 0 : index
    %get3A_18 = arith.constant 0 : index
    %get3A_19 = vector.load %arg5[%get3A_16, %get3A_17, %get3A_18] : memref<1x64x64xf32, #tpu.memory_space<vmem>>, vector<1x64x64xf32>
    %get3A_20 = vector.shape_cast %get3A_19 : vector<1x64x64xf32> to vector<64x64xf32>
    %dot_general3A_21 = arith.constant dense<0.000000e+00> : vector<400x64xf32>
    %dot_general3A_22 = tpu.matmul %max3A_15, %get3A_20, %dot_general3A_21 {dimension_numbers = #tpu.dot_dimension_numbers<[1], [0], [0], [1], [0, 0, 1, 1], [], []>, transpose_lhs_hint = false} : vector<400x64xf32>, vector<64x64xf32>, vector<400x64xf32> -> vector<400x64xf32>
    %get3A_23 = arith.constant 0 : index
    %get3A_24 = arith.constant 0 : index
    %get3A_25 = arith.constant 0 : index
    %get3A_26 = vector.load %arg6[%get3A_23, %get3A_24, %get3A_25] : memref<1x1x64xf32, #tpu.memory_space<vmem>>, vector<1x1x64xf32>
    %get3A_27 = vector.shape_cast %get3A_26 : vector<1x1x64xf32> to vector<1x64xf32>
    %add3A_28 = vector.broadcast %get3A_27 : vector<1x64xf32> to vector<400x64xf32>
    %add3A_29 = arith.addf %dot_general3A_22, %add3A_28 : vector<400x64xf32>
    %max3A_30 = arith.constant 0.000000e+00 : f32
    %max3A_31 = vector.broadcast %max3A_30 : f32 to vector<400x64xf32>
    %max3A_32 = arith.maximumf %add3A_29, %max3A_31 : vector<400x64xf32>
    %get3A_33 = arith.constant 0 : index
    %get3A_34 = arith.constant 0 : index
    %get3A_35 = arith.constant 0 : index
    %get3A_36 = vector.load %arg7[%get3A_33, %get3A_34, %get3A_35] : memref<1x64x128xf32, #tpu.memory_space<vmem>>, vector<1x64x128xf32>
    %get3A_37 = vector.shape_cast %get3A_36 : vector<1x64x128xf32> to vector<64x128xf32>
    %dot_general3A_38 = arith.constant dense<0.000000e+00> : vector<400x128xf32>
    %dot_general3A_39 = tpu.matmul %max3A_32, %get3A_37, %dot_general3A_38 {dimension_numbers = #tpu.dot_dimension_numbers<[1], [0], [0], [1], [0, 0, 1, 1], [], []>, transpose_lhs_hint = false} : vector<400x64xf32>, vector<64x128xf32>, vector<400x128xf32> -> vector<400x128xf32>
    %get3A_40 = arith.constant 0 : index
    %get3A_41 = arith.constant 0 : index
    %get3A_42 = arith.constant 0 : index
    %get3A_43 = vector.load %arg8[%get3A_40, %get3A_41, %get3A_42] : memref<1x1x128xf32, #tpu.memory_space<vmem>>, vector<1x1x128xf32>
    %get3A_44 = vector.shape_cast %get3A_43 : vector<1x1x128xf32> to vector<1x128xf32>
    %add3A_45 = vector.broadcast %get3A_44 : vector<1x128xf32> to vector<400x128xf32>
    %add3A_46 = arith.addf %dot_general3A_39, %add3A_45 : vector<400x128xf32>
    %max3A_47 = arith.constant 0.000000e+00 : f32
    %max3A_48 = vector.broadcast %max3A_47 : f32 to vector<400x128xf32>
    %max3A_49 = arith.maximumf %add3A_46, %max3A_48 : vector<400x128xf32>
    %swap3A = arith.constant 0 : index
    %swap3A_50 = arith.constant 0 : index
    %swap3A_51 = arith.constant 0 : index
    %swap3A_52 = vector.load %arg9[%swap3A, %swap3A_50, %swap3A_51] : memref<1x400x128xf32, #tpu.memory_space<vmem>>, vector<1x400x128xf32>
    %swap3A_53 = vector.shape_cast %swap3A_52 : vector<1x400x128xf32> to vector<400x128xf32>
    %swap3A_54 = vector.shape_cast %max3A_49 : vector<400x128xf32> to vector<1x400x128xf32>
    tpu.vector_store %arg9[%swap3A, %swap3A_50, %swap3A_51], %swap3A_54 {strides = array<i32>} : memref<1x400x128xf32, #tpu.memory_space<vmem>>, vector<1x400x128xf32>,
    return
  }
  func.func @transform_0(%arg0: i32, %arg1: i32) -> (i32, i32) {
    %c0_i32 = arith.constant 0 : i32
    %c0_i32_0 = arith.constant 0 : i32
    return %arg1, %c0_i32 : i32, i32
  }
  func.func @transform_1(%arg0: i32, %arg1: i32) -> (i32, i32, i32) {
    %c0_i32 = arith.constant 0 : i32
    %c0_i32_0 = arith.constant 0 : i32
    %c0_i32_1 = arith.constant 0 : i32
    return %arg0, %c0_i32, %c0_i32_0 : i32, i32, i32
  }
  func.func @transform_2(%arg0: i32, %arg1: i32) -> (i32, i32, i32) {
    %c0_i32 = arith.constant 0 : i32
    %c0_i32_0 = arith.constant 0 : i32
    %c0_i32_1 = arith.constant 0 : i32
    return %arg0, %c0_i32, %c0_i32_0 : i32, i32, i32
  }
  func.func @transform_3(%arg0: i32, %arg1: i32) -> (i32, i32, i32) {
    %c0_i32 = arith.constant 0 : i32
    %c0_i32_0 = arith.constant 0 : i32
    %c0_i32_1 = arith.constant 0 : i32
    return %arg0, %c0_i32, %c0_i32_0 : i32, i32, i32
  }
  func.func @transform_4(%arg0: i32, %arg1: i32) -> (i32, i32, i32) {
    %c0_i32 = arith.constant 0 : i32
    %c0_i32_0 = arith.constant 0 : i32
    %c0_i32_1 = arith.constant 0 : i32
    return %arg0, %c0_i32, %c0_i32_0 : i32, i32, i32
  }
  func.func @transform_5(%arg0: i32, %arg1: i32) -> (i32, i32, i32) {
    %c0_i32 = arith.constant 0 : i32
    %c0_i32_0 = arith.constant 0 : i32
    %c0_i32_1 = arith.constant 0 : i32
    return %arg0, %c0_i32, %c0_i32_0 : i32, i32, i32
  }
  func.func @transform_6(%arg0: i32, %arg1: i32) -> (i32, i32, i32) {
    %c0_i32 = arith.constant 0 : i32
    %c0_i32_0 = arith.constant 0 : i32
    %c0_i32_1 = arith.constant 0 : i32
    return %arg0, %c0_i32, %c0_i32_0 : i32, i32, i32
  }
  func.func @transform_7(%arg0: i32, %arg1: i32) -> (i32, i32, i32) {
    %c0_i32 = arith.constant 0 : i32
    %c0_i32_0 = arith.constant 0 : i32
    return %arg0, %arg1, %c0_i32 : i32, i32, i32
  }
}

module attributes {stable_mosaic.version = 14 : i64} {
  func.func @_out_body(%arg0: i32, %arg1: memref<400x128xf32, #tpu.memory_space<vmem>>, %arg2: memref<3x400x128xf32, #tpu.memory_space<vmem>>, %arg3: memref<400x1xi32, #tpu.memory_space<vmem>>, %arg4: memref<512x64xf32, #tpu.memory_space<vmem>>, %arg5: memref<1x64xf32, #tpu.memory_space<vmem>>, %arg6: memref<64x64xf32, #tpu.memory_space<vmem>>, %arg7: memref<1x64xf32, #tpu.memory_space<vmem>>, %arg8: memref<64x128xf32, #tpu.memory_space<vmem>>, %arg9: memref<1x128xf32, #tpu.memory_space<vmem>>, %arg10: memref<400x128xf32, #tpu.memory_space<vmem>>) attributes {dimension_semantics = [#tpu.dimension_semantics<arbitrary>], iteration_bounds = array<i64: 25>, scalar_prefetch = 0 : i64, scratch_operands = 0 : i64, tpu.core_type = #tpu.core_type<tc>, window_params = [{transform_indices = @transform_0, window_bounds = array<i64: 400, 128>}, {transform_indices = @transform_1, window_bounds = array<i64: 3, 400, 128>}, {transform_indices = @transform_2, window_bounds = array<i64: 400, 1>}, {pipeline_mode = #tpu.pipeline_mode<synchronous>, transform_indices = @transform_3, window_bounds = array<i64: 512, 64>}, {pipeline_mode = #tpu.pipeline_mode<synchronous>, transform_indices = @transform_4, window_bounds = array<i64: 1, 64>}, {pipeline_mode = #tpu.pipeline_mode<synchronous>, transform_indices = @transform_5, window_bounds = array<i64: 64, 64>}, {pipeline_mode = #tpu.pipeline_mode<synchronous>, transform_indices = @transform_6, window_bounds = array<i64: 1, 64>}, {pipeline_mode = #tpu.pipeline_mode<synchronous>, transform_indices = @transform_7, window_bounds = array<i64: 64, 128>}, {pipeline_mode = #tpu.pipeline_mode<synchronous>, transform_indices = @transform_8, window_bounds = array<i64: 1, 128>}, {transform_indices = @transform_9, window_bounds = array<i64: 400, 128>}]} {
    %get3A = arith.constant 0 : index
    %get3A_0 = arith.constant 0 : index
    %get3A_1 = vector.load %arg1[%get3A, %get3A_0] : memref<400x128xf32, #tpu.memory_space<vmem>>, vector<400x128xf32>
    %max3A = arith.constant 0.000000e+00 : f32
    %max3A_2 = vector.broadcast %max3A : f32 to vector<400x128xf32>
    %max3A_3 = arith.maximumf %get3A_1, %max3A_2 : vector<400x128xf32>
    %get3A_4 = arith.constant 0 : index
    %get3A_5 = arith.constant 0 : index
    %get3A_6 = vector.load %arg4[%get3A_4, %get3A_5] : memref<512x64xf32, #tpu.memory_space<vmem>>, vector<128x64xf32>
    %dot_general3A = arith.constant dense<0.000000e+00> : vector<400x64xf32>
    %dot_general3A_7 = tpu.matmul %max3A_3, %get3A_6, %dot_general3A {dimension_numbers = #tpu.dot_dimension_numbers<[1], [0], [0], [1], [0, 0, 1, 1], [], []>, transpose_lhs_hint = false} : vector<400x128xf32>, vector<128x64xf32>, vector<400x64xf32> -> vector<400x64xf32>
    %get3A_8 = arith.constant 0 : index
    %get3A_9 = arith.constant 0 : index
    %get3A_10 = arith.constant 0 : index
    %get3A_11 = vector.load %arg2[%get3A_8, %get3A_9, %get3A_10] : memref<3x400x128xf32, #tpu.memory_space<vmem>>, vector<1x400x128xf32>
    %get3A_12 = vector.shape_cast %get3A_11 : vector<1x400x128xf32> to vector<400x128xf32>
    %get3A_13 = arith.constant 128 : index
    %get3A_14 = arith.constant 0 : index
    %get3A_15 = vector.load %arg4[%get3A_13, %get3A_14] : memref<512x64xf32, #tpu.memory_space<vmem>>, vector<128x64xf32>
    %dot_general3A_16 = arith.constant dense<0.000000e+00> : vector<400x64xf32>
    %dot_general3A_17 = tpu.matmul %get3A_12, %get3A_15, %dot_general3A_16 {dimension_numbers = #tpu.dot_dimension_numbers<[1], [0], [0], [1], [0, 0, 1, 1], [], []>, transpose_lhs_hint = false} : vector<400x128xf32>, vector<128x64xf32>, vector<400x64xf32> -> vector<400x64xf32>
    %add3A = arith.addf %dot_general3A_7, %dot_general3A_17 : vector<400x64xf32>
    %get3A_18 = arith.constant 1 : index
    %get3A_19 = arith.constant 0 : index
    %get3A_20 = arith.constant 0 : index
    %get3A_21 = vector.load %arg2[%get3A_18, %get3A_19, %get3A_20] : memref<3x400x128xf32, #tpu.memory_space<vmem>>, vector<1x400x128xf32>
    %get3A_22 = vector.shape_cast %get3A_21 : vector<1x400x128xf32> to vector<400x128xf32>
    %get3A_23 = arith.constant 256 : index
    %get3A_24 = arith.constant 0 : index
    %get3A_25 = vector.load %arg4[%get3A_23, %get3A_24] : memref<512x64xf32, #tpu.memory_space<vmem>>, vector<128x64xf32>
    %dot_general3A_26 = arith.constant dense<0.000000e+00> : vector<400x64xf32>
    %dot_general3A_27 = tpu.matmul %get3A_22, %get3A_25, %dot_general3A_26 {dimension_numbers = #tpu.dot_dimension_numbers<[1], [0], [0], [1], [0, 0, 1, 1], [], []>, transpose_lhs_hint = false} : vector<400x128xf32>, vector<128x64xf32>, vector<400x64xf32> -> vector<400x64xf32>
    %add3A_28 = arith.addf %add3A, %dot_general3A_27 : vector<400x64xf32>
    %get3A_29 = arith.constant 2 : index
    %get3A_30 = arith.constant 0 : index
    %get3A_31 = arith.constant 0 : index
    %get3A_32 = vector.load %arg2[%get3A_29, %get3A_30, %get3A_31] : memref<3x400x128xf32, #tpu.memory_space<vmem>>, vector<1x400x128xf32>
    %get3A_33 = vector.shape_cast %get3A_32 : vector<1x400x128xf32> to vector<400x128xf32>
    %get3A_34 = arith.constant 384 : index
    %get3A_35 = arith.constant 0 : index
    %get3A_36 = vector.load %arg4[%get3A_34, %get3A_35] : memref<512x64xf32, #tpu.memory_space<vmem>>, vector<128x64xf32>
    %dot_general3A_37 = arith.constant dense<0.000000e+00> : vector<400x64xf32>
    %dot_general3A_38 = tpu.matmul %get3A_33, %get3A_36, %dot_general3A_37 {dimension_numbers = #tpu.dot_dimension_numbers<[1], [0], [0], [1], [0, 0, 1, 1], [], []>, transpose_lhs_hint = false} : vector<400x128xf32>, vector<128x64xf32>, vector<400x64xf32> -> vector<400x64xf32>
    %add3A_39 = arith.addf %add3A_28, %dot_general3A_38 : vector<400x64xf32>
    %get3A_40 = arith.constant 0 : index
    %get3A_41 = arith.constant 0 : index
    %get3A_42 = vector.load %arg5[%get3A_40, %get3A_41] : memref<1x64xf32, #tpu.memory_space<vmem>>, vector<1x64xf32>
    %add3A_43 = vector.broadcast %get3A_42 : vector<1x64xf32> to vector<400x64xf32>
    %add3A_44 = arith.addf %add3A_39, %add3A_43 : vector<400x64xf32>
    %max3A_45 = arith.constant 0.000000e+00 : f32
    %max3A_46 = vector.broadcast %max3A_45 : f32 to vector<400x64xf32>
    %max3A_47 = arith.maximumf %add3A_44, %max3A_46 : vector<400x64xf32>
    %get3A_48 = arith.constant 0 : index
    %get3A_49 = arith.constant 0 : index
    %get3A_50 = vector.load %arg6[%get3A_48, %get3A_49] : memref<64x64xf32, #tpu.memory_space<vmem>>, vector<64x64xf32>
    %dot_general3A_51 = arith.constant dense<0.000000e+00> : vector<400x64xf32>
    %dot_general3A_52 = tpu.matmul %max3A_47, %get3A_50, %dot_general3A_51 {dimension_numbers = #tpu.dot_dimension_numbers<[1], [0], [0], [1], [0, 0, 1, 1], [], []>, transpose_lhs_hint = false} : vector<400x64xf32>, vector<64x64xf32>, vector<400x64xf32> -> vector<400x64xf32>
    %get3A_53 = arith.constant 0 : index
    %get3A_54 = arith.constant 0 : index
    %get3A_55 = vector.load %arg7[%get3A_53, %get3A_54] : memref<1x64xf32, #tpu.memory_space<vmem>>, vector<1x64xf32>
    %add3A_56 = vector.broadcast %get3A_55 : vector<1x64xf32> to vector<400x64xf32>
    %add3A_57 = arith.addf %dot_general3A_52, %add3A_56 : vector<400x64xf32>
    %max3A_58 = arith.constant 0.000000e+00 : f32
    %max3A_59 = vector.broadcast %max3A_58 : f32 to vector<400x64xf32>
    %max3A_60 = arith.maximumf %add3A_57, %max3A_59 : vector<400x64xf32>
    %get3A_61 = arith.constant 0 : index
    %get3A_62 = arith.constant 0 : index
    %get3A_63 = vector.load %arg8[%get3A_61, %get3A_62] : memref<64x128xf32, #tpu.memory_space<vmem>>, vector<64x128xf32>
    %dot_general3A_64 = arith.constant dense<0.000000e+00> : vector<400x128xf32>
    %dot_general3A_65 = tpu.matmul %max3A_60, %get3A_63, %dot_general3A_64 {dimension_numbers = #tpu.dot_dimension_numbers<[1], [0], [0], [1], [0, 0, 1, 1], [], []>, transpose_lhs_hint = false} : vector<400x64xf32>, vector<64x128xf32>, vector<400x128xf32> -> vector<400x128xf32>
    %get3A_66 = arith.constant 0 : index
    %get3A_67 = arith.constant 0 : index
    %get3A_68 = vector.load %arg9[%get3A_66, %get3A_67] : memref<1x128xf32, #tpu.memory_space<vmem>>, vector<1x128xf32>
    %add3A_69 = vector.broadcast %get3A_68 : vector<1x128xf32> to vector<400x128xf32>
    %add3A_70 = arith.addf %dot_general3A_65, %add3A_69 : vector<400x128xf32>
    %get3A_71 = arith.constant 0 : index
    %get3A_72 = arith.constant 0 : index
    %get3A_73 = vector.load %arg3[%get3A_71, %get3A_72] : memref<400x1xi32, #tpu.memory_space<vmem>>, vector<400x1xi32>
    %eq3A = arith.constant 0 : i32
    %eq3A_74 = vector.broadcast %eq3A : i32 to vector<400x1xi32>
    %eq3A_75 = arith.cmpi eq, %get3A_73, %eq3A_74 : vector<400x1xi32>
    %eq3A_76 = arith.constant 1 : i32
    %eq3A_77 = vector.broadcast %eq3A_76 : i32 to vector<400x1xi32>
    %eq3A_78 = arith.cmpi eq, %get3A_73, %eq3A_77 : vector<400x1xi32>
    %or3A = arith.ori %eq3A_75, %eq3A_78 : vector<400x1xi1>
    %broadcast_in_dim3A = vector.shape_cast %or3A : vector<400x1xi1> to vector<400x1xi1>
    %broadcast_in_dim3A_79 = vector.broadcast %broadcast_in_dim3A : vector<400x1xi1> to vector<400x128xi1>
    %select_n3A = arith.select %broadcast_in_dim3A_79, %add3A_70, %get3A_1 : vector<400x128xi1>, vector<400x128xf32>
    %swap3A = arith.constant 0 : index
    %swap3A_80 = arith.constant 0 : index
    %swap3A_81 = vector.load %arg10[%swap3A, %swap3A_80] : memref<400x128xf32, #tpu.memory_space<vmem>>, vector<400x128xf32>
    tpu.vector_store %arg10[%swap3A, %swap3A_80], %select_n3A {strides = array<i32>} : memref<400x128xf32, #tpu.memory_space<vmem>>, vector<400x128xf32>,
    return
  }
  func.func @transform_0(%arg0: i32) -> (i32, i32) {
    %c0_i32 = arith.constant 0 : i32
    %c0_i32_0 = arith.constant 0 : i32
    return %arg0, %c0_i32 : i32, i32
  }
  func.func @transform_1(%arg0: i32) -> (i32, i32, i32) {
    %c0_i32 = arith.constant 0 : i32
    %c0_i32_0 = arith.constant 0 : i32
    %c0_i32_1 = arith.constant 0 : i32
    return %c0_i32, %arg0, %c0_i32_0 : i32, i32, i32
  }
  func.func @transform_2(%arg0: i32) -> (i32, i32) {
    %c0_i32 = arith.constant 0 : i32
    %c0_i32_0 = arith.constant 0 : i32
    return %arg0, %c0_i32 : i32, i32
  }
  func.func @transform_3(%arg0: i32) -> (i32, i32) {
    %c0_i32 = arith.constant 0 : i32
    %c0_i32_0 = arith.constant 0 : i32
    %c0_i32_1 = arith.constant 0 : i32
    return %c0_i32, %c0_i32_0 : i32, i32
  }
  func.func @transform_4(%arg0: i32) -> (i32, i32) {
    %c0_i32 = arith.constant 0 : i32
    %c0_i32_0 = arith.constant 0 : i32
    %c0_i32_1 = arith.constant 0 : i32
    return %c0_i32, %c0_i32_0 : i32, i32
  }
  func.func @transform_5(%arg0: i32) -> (i32, i32) {
    %c0_i32 = arith.constant 0 : i32
    %c0_i32_0 = arith.constant 0 : i32
    %c0_i32_1 = arith.constant 0 : i32
    return %c0_i32, %c0_i32_0 : i32, i32
  }
  func.func @transform_6(%arg0: i32) -> (i32, i32) {
    %c0_i32 = arith.constant 0 : i32
    %c0_i32_0 = arith.constant 0 : i32
    %c0_i32_1 = arith.constant 0 : i32
    return %c0_i32, %c0_i32_0 : i32, i32
  }
  func.func @transform_7(%arg0: i32) -> (i32, i32) {
    %c0_i32 = arith.constant 0 : i32
    %c0_i32_0 = arith.constant 0 : i32
    %c0_i32_1 = arith.constant 0 : i32
    return %c0_i32, %c0_i32_0 : i32, i32
  }
  func.func @transform_8(%arg0: i32) -> (i32, i32) {
    %c0_i32 = arith.constant 0 : i32
    %c0_i32_0 = arith.constant 0 : i32
    %c0_i32_1 = arith.constant 0 : i32
    return %c0_i32, %c0_i32_0 : i32, i32
  }
  func.func @transform_9(%arg0: i32) -> (i32, i32) {
    %c0_i32 = arith.constant 0 : i32
    %c0_i32_0 = arith.constant 0 : i32
    return %arg0, %c0_i32 : i32, i32
  }
}

</mosaic_0001>

<sc_bundles>
// kernel: kernel.5.cloned.1.call-start
scs
__scs_entry_jumppad:
0x0: {  	(pc) =	sbr.rel $0x88, $3  }
0x1: {  	(tag) =	ssettag $0x0;
	lr =	simm.s32 $0x1  }
0x2: {  	[smem:$0x3F91] =	sst lr;
	_ =	strace $0xD0000000  }
0x3: {  	_ = 	snop  }
0x4: {  	_ = 	snop  }
0x5: {  	_ = 	snop  }
0x6: {  	_ = 	snop  }
0x7: {  	_ = 	snop  }
__scs_overlays_trampoline_lowered:
0x8: {  	[smem:$0x3FA0] =	sst s0  }
0x9: {  	[smem:$0x3FA1] =	sst s1  }
0xa: {  	[smem:$0x3FA2] =	sst s2  }
0xb: {  	[smem:$0x3FA3] =	sst s3  }
0xc: {  	[smem:$0x3FA4] =	sst s4  }
0xd: {  	[smem:$0x3FA5] =	sst s5  }
0xe: {  	[smem:$0x3FA6] =	sst s6  }
0xf: {  	[smem:$0x3FA7] =	sst s7  }
0x10: {  	[smem:$0x3FA8] =	sst s8  }
0x11: {  	[smem:$0x3FA9] =	sst s9;
	s0 =	simm.s32 @!p0 $0x0  }
0x12: {  	s1 =	sld [smem:$0x3F8F];
	s0 =	simm.s32 @p0 $0x1  }
0x13: {  	[smem:$0x3FAA] =	sst s0;
	s0 =	simm.s32 @!p1 $0x0  }
0x14: {  	s2 =	sld [smem:$0x3F8E];
	s0 =	simm.s32 @p1 $0x1  }
0x15: {  	[smem:$0x3FAB] =	sst s0;
	s0 =	simm.s32 @!p2 $0x0  }
0x16: {  	s3 =	sld [smem:$0x3FDB];
	s0 =	simm.s32 @p2 $0x1  }
0x17: {  	s4 =	simm.s32 $0x1BF5;
	[smem:$0x3FAD] =	sst s0  }
0x18: {  	s0 =	sld [smem:$0x3F90];
	_ =	swait.ge [sflag:s4], $0x0  }
0x19: {  	s7 =	sld [smem:$0x3F91]  }
0x1a: {  	s8 =	sadd.s32 $0xFFFFE003, lr  }
0x1b: {  	s9 =	sadd.s32 $0xFFFFFEF7, lr;
	s5 =	simm.s32 $0xFFFFFFFF;
	p2 =	slt.u32 s8, $0xFFFFF086  }
0x1c: {  	p1 =	slt.u32 s9, $0xF7A;
	s5 =	simm.s32 @!p2 $0x0  }
0x1d: {  	s5 =	simm.s32 @p1 $0x1;
	p0 =	seq.s32 s7, s2  }
0x1e: {  	s7 =	smul.u32 @!p0 $0xF7A, s2;
	p2 =	seq.s32 @!p0 s5, $0x0  }
0x1f: {  	s9 =	smul.u32 $0xF7A, s1;
	s8 =	simm.s32 @!p0 $0x1BF5;
	p2 =	por !p2, p0  }
0x20: {  	[sflag:s8] =	ssyncset.s32 @!p0 $0xFFFFF086;
	s6 =	sadd.s32 @!p0 s3, s7;
	s7 =	simm.s32 @!p0 $0x108  }
0x21: {  	s3 =	sadd.s32 s3, s9;
	s6 =	sadd.s32 @!p0 $0x88, s6;
	s7 =	simm.s32 @p2 $0x1082  }
0x22: {  	[simem:s7], [sflag:s8] =	dma.local @!p0 [hbm:s6], $0xF7A  }
0x23: {  	s9 =	sor.u32 $0xD0000000, s2;
	s6 =	simm.s32 $0x108;
	_ =	swait.ge @!p0 [sflag:s8], $0x0  }
0x24: {  	s3 =	sadd.s32 $0x88, s3;
	s6 =	simm.s32 @!p1 $0x1082;
	[sflag:s4] =	ssyncset.s32 $0xFFFFF086  }
0x25: {  	[simem:s6], [sflag:s4] =	dma.local [hbm:s3], $0xF7A  }
0x26: {  	[smem:$0x3F91] =	sst s1;
	(tag) =	ssettag s2;
	_ =	strace s9  }
0x27: {  	s1 =	sld [smem:$0x3FA1]  }
0x28: {  	s2 =	sld [smem:$0x3FA2]  }
0x29: {  	s4 =	sld [smem:$0x3FA4]  }
0x2a: {  	p0 =	seq.s32 s5, $0x0;
	s5 =	sld [smem:$0x3FA5]  }
0x2b: {  	s6 =	sld [smem:$0x3FA6]  }
0x2c: {  	s7 =	sld [smem:$0x3FA7]  }
0x2d: {  	s3 =	simm.s32 $0x108;
	s8 =	sld [smem:$0x3FA8]  }
0x2e: {  	s3 =	simm.s32 @!p0 $0x1082;
	s9 =	sld [smem:$0x3FA9]  }
0x2f: {  	lr =	sadd.s32 s0, s3;
	s0 =	sld [smem:$0x3FA0]  }
0x30: {  	s3 =	sld [smem:$0x3FA3]  }
0x31: {  	[smem:$0x3FAC] =	sst s10  }
0x32: {  	s10 =	sld [smem:$0x3FAA];
	_ =	sdelay $0x3  }
0x33: {  	p0 =	seq.s32 s10, $0x1;
	s10 =	sld [smem:$0x3FAC];
	_ =	sdelay $0x3  }
0x34: {  	[smem:$0x3FAC] =	sst s10  }
0x35: {  	s10 =	sld [smem:$0x3FAB];
	_ =	sdelay $0x3  }
0x36: {  	p1 =	seq.s32 s10, $0x1;
	s10 =	sld [smem:$0x3FAC];
	_ =	sdelay $0x3  }
0x37: {  	[smem:$0x3FAC] =	sst s10  }
0x38: {  	s10 =	sld [smem:$0x3FAD]  }
0x39: {  	_ = 	snop;
	(pc) =	sbr.ind lr, $3  }
0x3a: {  	_ = 	snop  }
0x3b: {  	_ = 	snop  }
0x3c: {  	p2 =	seq.s32 s10, $0x1;
	s10 =	sld [smem:$0x3FAC]  }
0x3d: {  	_ =	shalt  }
0x3e: {  	_ =	shalt  }
0x3f: {  	_ =	shalt  }
0x40: {  	_ =	shalt  }
0x41: {  	_ =	shalt  }
0x42: {  	_ =	shalt  }
0x43: {  	_ =	shalt  }
0x44: {  	_ =	shalt  }
0x45: {  	_ =	shalt  }
0x46: {  	_ =	shalt  }
0x47: {  	_ =	shalt  }
0x48: {  	_ =	shalt  }
0x49: {  	_ =	shalt  }
0x4a: {  	_ =	shalt  }
0x4b: {  	_ =	shalt  }
0x4c: {  	_ =	shalt  }
0x4d: {  	_ =	shalt  }
0x4e: {  	_ =	shalt  }
0x4f: {  	_ =	shalt  }
0x50: {  	_ =	shalt  }
0x51: {  	_ =	shalt  }
0x52: {  	_ =	shalt  }
0x53: {  	_ =	shalt  }
0x54: {  	_ =	shalt  }
0x55: {  	_ =	shalt  }
0x56: {  	_ =	shalt  }
0x57: {  	_ =	shalt  }
0x58: {  	_ =	shalt  }
0x59: {  	_ =	shalt  }
0x5a: {  	_ =	shalt  }
0x5b: {  	_ =	shalt  }
0x5c: {  	_ =	shalt  }
0x5d: {  	_ =	shalt  }
0x5e: {  	_ =	shalt  }
0x5f: {  	_ =	shalt  }
0x60: {  	_ =	shalt  }
0x61: {  	_ =	shalt  }
0x62: {  	_ =	shalt  }
0x63: {  	_ =	shalt  }
0x64: {  	_ =	shalt  }
0x65: {  	_ =	shalt  }
0x66: {  	_ =	shalt  }
0x67: {  	_ =	shalt  }
0x68: {  	_ =	shalt  }
0x69: {  	_ =	shalt  }
0x6a: {  	_ =	shalt  }
0x6b: {  	_ =	shalt  }
0x6c: {  	_ =	shalt  }
0x6d: {  	_ =	shalt  }
0x6e: {  	_ =	shalt  }
0x6f: {  	_ =	shalt  }
0x70: {  	_ =	shalt  }
0x71: {  	_ =	shalt  }
0x72: {  	_ =	shalt  }
0x73: {  	_ =	shalt  }
0x74: {  	_ =	shalt  }
0x75: {  	_ =	shalt  }
0x76: {  	_ =	shalt  }
0x77: {  	_ =	shalt  }
0x78: {  	_ =	shalt  }
0x79: {  	_ =	shalt  }
0x7a: {  	_ =	shalt  }
0x7b: {  	_ =	shalt  }
0x7c: {  	_ =	shalt  }
0x7d: {  	_ =	shalt  }
0x7e: {  	_ =	shalt  }
0x7f: {  	_ =	shalt  }
0x80: {  	_ =	shalt  }
0x81: {  	_ =	shalt  }
0x82: {  	_ =	shalt  }
0x83: {  	_ =	shalt  }
0x84: {  	_ =	shalt  }
0x85: {  	_ =	shalt  }
0x86: {  	_ =	shalt  }
0x87: {  	_ =	shalt  }
.Lfunc_end0:
.L_simem_size_0:
called_computation_lowered:
.L_overlay_start_0:
0x88: {  	s2 =	sld [smem:$0x3FD9]  }
0x89: {  	s3 =	sld [smem:$0x3FFE];
	_ =	sdelay $0x1  }
0x8a: {  	s1 =	srdreg.scid  }
0x8b: {  	s0 =	sand.u32 $0x1, s1  }
0x8c: {  	s17 =	sshll.u32 s0, $0xA;
	s2 =	sadd.s32 s3, s2  }
0x8d: {  	s2 =	sadd.s32 s2, s17  }
0x8e: {  	[smem:$0x3FB8] =	sst s2  }
0x8f: {  	_ = 	snop  }
0x90: {  	s2 =	sld [smem:$0x3FD0];
	(tm) =	ssettm $0x1  }
0x91: {  	s18 =	sld [smem:$0x3FFB];
	_ =	sdelay $0x3  }
0x92: {  	_ =	strace s18  }
0x93: {  	s3 =	sld [smem:$0x3FFC];
	_ =	sdelay $0x3  }
0x94: {  	_ =	strace s3  }
0x95: {  	s3 =	sld [smem:$0x3FFD];
	_ =	sdelay $0x3  }
0x96: {  	_ =	strace s3  }
0x97: {  	_ =	strace $0x8FFFFFFF  }
0x98: {  	s19 =	sld [smem:$0x3FDB];
	_ =	sdelay $0x1  }
0x99: {  	s4 =	simm.s32 $_scs_section_size  }
0x9a: {  	s5 =	simm.s32 $_size__tile_overlayer_lowered;
	s6 =	simm.s32 $_tile_overlayer_lowered  }
0x9b: {  	s22 =	simm.s32 $0x1BFF;
	s21 =	sshll.u32 s6, $0x1;
	s3 =	sadd.s32 s4, s19  }
0x9c: {  	s7 =	simm.s32 $0x0;
	s20 =	sshll.u32 s5, $0x1;
	s5 =	sadd.s32 s21, s3  }
0x9d: {  	[timem:s7], [sflag:s22] =	dma.local [hbm:s5], s20  }
0x9e: {  	_ =	swait.ge [sflag:s22], s20  }
0x9f: {  	s4 =	ssub.s32 $0x0, s20;
	[sflag:s22] =	ssyncset.done $0x0  }
0xa0: {  	[sflag:s22] =	ssyncadd.s32 s4;
	_ =	sdelay $0x1  }
0xa1: {  	s23 =	simm.s32 $0x1B8B  }
0xa2: {  	_ =	swait.ge [sflag:s23], $0x1  }
0xa3: {  	[sflag:s23] =	ssyncset.done $0x0  }
0xa4: {  	s25 =	simm.s32 $0x1B8E;
	s24 =	sld [smem:$0x3FFE];
	[sflag:s23] =	ssyncadd.s32 $0xFFFFFFFF  }
0xa5: {  	s26 =	simm.s32 $execute0_lowered;
	[smem:$0x3FD2] =	sst s25  }
0xa6: {  	s5 =	sshll.u32 s26, $0x1;
	_ =	strace $0x80000046;
	[dreg:$0x1] =	wrdreg $0xFFFFFFFF  }
0xa7: {  	s28 =	simm.s32 $_size_execute0_lowered;
	s3 =	sadd.s32 s3, s5;
	[dreg:$0x0] =	wrdreg $0x0  }
0xa8: {  	s5 =	sshll.u32 s28, $0x1;
	[dreg:$0x2] =	wrdreg s3  }
0xa9: {  	[dreg:$0x3] =	wrdreg s5  }
0xaa: {  	[dreg:$0x4] =	wrdreg $0xC0  }
0xab: {  	_ =	task [dreg:s7], $0x5FFFF  }
0xac: {  	[dreg:$0x1] =	wrdreg $0xFFFFFFFF  }
0xad: {  	[dreg:$0x0] =	wrdreg $0x60  }
0xae: {  	[dreg:$0x2] =	wrdreg s24  }
0xaf: {  	[dreg:$0x3] =	wrdreg s2  }
0xb0: {  	[dreg:$0x4] =	wrdreg $0x27800  }
0xb1: {  	[dreg:$0x5] =	wrdreg $0x9  }
0xb2: {  	_ =	task.clear_ibuf [dreg:s7], $0x6FFFF;
	_ =	strace $0x90000046  }
0xb3: {  	s29 =	simm.s32 $0x9;
	_ =	strace $0x80000048  }
0xb4: {  	_ =	swait.ge [sflag:s29], $0x1  }
0xb5: {  	[sflag:s29] =	ssyncadd.s32 $0xFFFFFFFF  }
0xb6: {  	_ =	strace $0x90000048  }
0xb7: {  	_ =	sfence  }
0xb8: {  	s30 =	sld [smem:$0x0];
	_ =	sdelay $0x2  }
0xb9: {  	s31 =	sshll.u32 s1, $0xD;
	s1 =	sshrl.u32 s1, $0x2  }
0xba: {  	s3 =	sand.u32 $0x4000, s31;
	s1 =	sadd.s32 s1, s30  }
0xbb: {  	s0 =	sor.u32 s3, s0;
	s1 =	sshll.u32 s1, $0x11  }
0xbc: {  	s0 =	sor.u32 s1, s0  }
0xbd: {  	s0 =	sadd.s32 $0x8F2B, s0  }
0xbe: {  	[sflag:s0] =	ssyncadd.remote.s32 $0x1  }
0xbf: {  	_ =	sfence.sel $0xFFFF  }
0xc0: {  	[dreg:$0x0] =	wrdreg $0xFFFFFFFF;
	(pc) =	sbr.abs _section_cstart, $3  }
0xc1: {  	[dreg:$0x1] =	wrdreg $0xFFFFFFFF  }
0xc2: {  	_ =	task.clear_ibuf [dreg:s7], $0x2FFFF;
	_ =	strace $0x9FFFFFFF  }
0xc3: {  	(tm) =	ssettm $0x7FFFFFFF  }
tec
execute0_lowered:
.L_overlay_start_1:
0x0: {  	(tag) =	ssettag $0x1  }
0x1: {  	s9 =	rddreg [dreg:$0x0]  }
0x2: {  	s1 =	rddreg [dreg:$0x1]  }
0x3: {  	s2 =	rddreg [dreg:$0x2]  }
0x4: {  	s0 =	rddreg [dreg:$0x3];
	s3 =	simm.s32 $0x0;
	s4 =	srdreg.scid  }
0x5: {  	s15 =	simm.s32 $0x380;
	s16 =	simm.s32 $0x20;
	s10 =	sand.u32 $0x1, s4  }
0x6: {  	s17 =	simm.s32 $0x700;
	s4 =	stileid.u32;
	s11 =	smul.u32 $0x3A980, s10  }
0x7: {  	s20 =	simm.s32 $0x2700;
	[smem:$0x7FF] =	sst s3;
	s8 =	smul.u32 $0x4E20, s4  }
0x8: {  	s5 =	sadd.s32 $0xBC00, s9;
	s6 =	sadd.s32 $0x1E00, s9;
	s18 =	smul.u32 $0x3A98, s10  }
0x9: {  	s7 =	sadd.s32 $0x81000, s9;
	_ =	strace $0x80000047;
	s13 =	smul.u32 $0xF000, s4  }
0xa: {  	s28 =	ssub.s32 $0x2, s10;
	s30 =	ssub.s32 $0x8C, s4;
	s14 =	smul.u32 $0x780, s4  }
0xb: {  	s31 =	sshll.u32 s4, $0x6;
	s29 =	sshrl.u32 s28, $0x1;
	s12 =	sadd.s32 s11, s9  }
0xc: {  	s10 =	ssub.s32 s28, s29;
	s9 =	sshrl.u32 s30, $0x4;
	s19 =	sadd.s32 $0x3A98, s18  }
0xd: {  	s11 =	sor.u32 $0x1C02, s31;
	s13 =	sshrl.u32 s13, $0x2;
	v0 =	vmov s18;
	s18 =	simm.s32 $0x1  }
0xe: {  	s10 =	smax.u32 s10, $0x1;
	s14 =	sadd.s32 s14, s12;
	s12 =	sadd.s32 s13, s2  }
0xf: {  	v1 =	vmov s19;
	s19 =	simm.s32 $0x1700;
	s13 =	sadd.s32 $0x81800, s14;
	s14 =	simm.s32 $0x2  }
.LBB2_1:
0x10: {  	p0 =	sne.s32 s9, $0x1  }
.Ltmp0:
0x11: {  	_ = 	snop;
	(pc) =	sbr.rel @!p0 .LBB2_3-.Ltmp0, $4  }
0x12: {  	s21 =	sshrl.u32 s12, $0x3  }
0x13: {  	[spmem:s21], [sflag:s11] =	dma.local [hbm:s7], $0x780  }
0x14: {  	_ =	swait.ge [sflag:s14], $0x780  }
0x15: {  	s22 =	sadd.s32 $0xFFFFFFFF, s9;
	s23 =	sadd.s32 $0x3C000, s12;
	[sflag:s14] =	ssyncset.done $0x0  }
.LBB2_2:
0x16: {  	s24 =	sshrl.u32 s23, $0x3;
	[sflag:s14] =	ssyncadd.s32 $0xFFFFF880;
	p1 =	sne.s32 s22, $0x1  }
0x17: {  	[spmem:s24], [sflag:s11] =	dma.local [hbm:s7], $0x780  }
.Ltmp1:
0x18: {  	_ = 	snop;
	(pc) =	sbr.rel @p1 .LBB2_2-.Ltmp1, $4  }
0x19: {  	_ = 	snop  }
0x1a: {  	s22 =	sadd.s32 $0xFFFFFFFF, s22  }
0x1b: {  	_ =	swait.ge [sflag:s14], $0x780  }
0x1c: {  	s23 =	sadd.s32 $0x3C000, s23;
	[sflag:s14] =	ssyncset.done $0x0  }
.LBB2_3:
0x1d: {  	[sflag:s14] =	ssyncadd.s32 $0xFFFFF880  }
0x1e: {  	s22 =	simm.s32 $0x0;
	s23 =	simm.s32 $0x0;
	[bflag:$0x0] =	sbarrier.arrive $0xFFFF  }
.LBB2_4:
0x1f: {  	s24 =	smul.u32 $0x320, s23;
	_ =	sdelay $0x1  }
0x20: {  	s24 =	sadd.s32 s8, s24  }
0x21: {  	s24 =	sshrl.u32 s24, $0x3  }
0x22: {  	s25 =	sadd.s32 s6, s24  }
0x23: {  	[tilespmem:s22], [sflag:$0x2] =	stream.linear.gather [hbm4b:s25+s22], $0x320, $0x38;
	[tilespmem:$0x1FC80] =	vst v63  }
0x24: {  	_ =	swait.ge [sflag:s14], $0x320  }
0x25: {  	[sflag:s14] =	ssyncset.done $0x0  }
0x26: {  	s24 =	sadd.s32 s1, s24;
	[sflag:s14] =	ssyncadd.s32 $0xFFFFFCE0  }
0x27: {  	[tilespmem:s15], [sflag:$0x2] =	stream.linear.gather [hbm4b:s24+s22], $0x320, $0x38;
	[tilespmem:$0x1FC80] =	vst v63  }
0x28: {  	_ =	swait.ge [sflag:s14], $0x320  }
0x29: {  	[sflag:s14] =	ssyncset.done $0x0  }
0x2a: {  	[sflag:s14] =	ssyncadd.s32 $0xFFFFFCE0  }
0x2b: {  	[tilespmem:s17], [sflag:$0x1] =	stream.indirect.gather [hbm4b:s5+s16], $0x80, s22, s16, $0xb8;
	[tilespmem:$0x1FC80] =	vst v63  }
0x2c: {  	_ =	swait.ge [sflag:s18], $0x1000  }
0x2d: {  	[sflag:s18] =	ssyncset.done $0x0  }
0x2e: {  	s29 =	simm.s32 $0x0;
	s30 =	simm.s32 $0x20;
	[sflag:s18] =	ssyncadd.s32 $0xFFFFF000  }
0x2f: {  	[tilespmem:s19], [sflag:$0x1] =	stream.indirect.gather [hbm4b:s5+s16], $0x80, s30, s16, $0xb8;
	[tilespmem:$0x1FC80] =	vst v63  }
0x30: {  	v2 =	vld [tilespmem:s29+$0x380];
	_ =	sdelay $0x4  }
0x31: {  	vm0 =	vge.s32 v2, v0;
	vm1 =	vlt.s32 v2, v1  }
0x32: {  	v2 =	vsub.s32 v2, v0;
	vm0 =	vmand vm0, vm1  }
0x33: {  	v2 =	vnsel vm0, $0x3A98, v2  }
0x34: {  	[tilespmem:$0x2700] =	vst v2  }
0x35: {  	v2 =	vld [tilespmem:s29+$0x390];
	_ =	sdelay $0x4  }
0x36: {  	vm10 =	vge.s32 v2, v0;
	vm11 =	vlt.s32 v2, v1  }
0x37: {  	v2 =	vsub.s32 v2, v0;
	vm0 =	vmand vm10, vm11  }
0x38: {  	v2 =	vnsel vm0, $0x3A98, v2  }
0x39: {  	[tilespmem:$0x2710] =	vst v2  }
0x3a: {  	[spmem:s2] =	stream.indirect.scatter.add.f32 [tilespmem:s17], [sflag:$0x2], $0x80, s20, s16, $0xb8;
	[tilespmem:$0x1FC80] =	vst v63  }
0x3b: {  	_ =	swait.ge [sflag:s14], $0x1000  }
0x3c: {  	[sflag:s14] =	ssyncset.done $0x0  }
0x3d: {  	[sflag:s14] =	ssyncadd.s32 $0xFFFFF000  }
0x3e: {  	_ =	swait.ge [sflag:s18], $0x1000  }
0x3f: {  	[sflag:s18] =	ssyncset.done $0x0  }
0x40: {  	s31 =	simm.s32 $0x40;
	[sflag:s18] =	ssyncadd.s32 $0xFFFFF000  }
0x41: {  	[tilespmem:s17], [sflag:$0x1] =	stream.indirect.gather [hbm4b:s5+s16], $0x80, s31, s16, $0xb8;
	[tilespmem:$0x1FC80] =	vst v63  }
0x42: {  	v2 =	vld [tilespmem:s29+$0x3A0];
	_ =	sdelay $0x4  }
0x43: {  	vm12 =	vge.s32 v2, v0;
	vm13 =	vlt.s32 v2, v1  }
0x44: {  	v2 =	vsub.s32 v2, v0;
	vm0 =	vmand vm12, vm13  }
0x45: {  	v2 =	vnsel vm0, $0x3A98, v2  }
0x46: {  	[tilespmem:$0x2700] =	vst v2  }
0x47: {  	v2 =	vld [tilespmem:s29+$0x3B0];
	_ =	sdelay $0x4  }
0x48: {  	vm14 =	vge.s32 v2, v0;
	vm15 =	vlt.s32 v2, v1  }
0x49: {  	v2 =	vsub.s32 v2, v0;
	vm0 =	vmand vm14, vm15  }
0x4a: {  	v2 =	vnsel vm0, $0x3A98, v2  }
0x4b: {  	[tilespmem:$0x2710] =	vst v2  }
0x4c: {  	[spmem:s2] =	stream.indirect.scatter.add.f32 [tilespmem:s19], [sflag:$0x2], $0x80, s20, s16, $0xb8;
	[tilespmem:$0x1FC80] =	vst v63  }
0x4d: {  	_ =	swait.ge [sflag:s14], $0x1000  }
0x4e: {  	s24 =	simm.s32 $0x100;
	[sflag:s14] =	ssyncset.done $0x0  }
.LBB2_5:
0x4f: {  	p1 =	sne.s32 s24, $0xB00  }
0x50: {  	[sflag:s14] =	ssyncadd.s32 $0xFFFFF000;
	s25 =	smov.u32 s24;
	s24 =	sadd.s32 $0x100, s24  }
0x51: {  	_ =	swait.ge [sflag:s18], $0x1000  }
0x52: {  	s25 =	sshra.s32 s25, $0x2;
	[sflag:s18] =	ssyncset.done $0x0  }
0x53: {  	s26 =	sadd.s32 $0x20, s25;
	[sflag:s18] =	ssyncadd.s32 $0xFFFFF000  }
0x54: {  	[tilespmem:s19], [sflag:$0x1] =	stream.indirect.gather [hbm4b:s5+s16], $0x80, s26, s16, $0xb8;
	[tilespmem:$0x1FC80] =	vst v63  }
0x55: {  	v2 =	vld [tilespmem:s25+$0x380];
	_ =	sdelay $0x4  }
0x56: {  	vm0 =	vge.s32 v2, v0;
	vm1 =	vlt.s32 v2, v1  }
0x57: {  	v2 =	vsub.s32 v2, v0;
	vm0 =	vmand vm0, vm1  }
0x58: {  	v2 =	vnsel vm0, $0x3A98, v2  }
0x59: {  	[tilespmem:$0x2700] =	vst v2  }
0x5a: {  	v2 =	vld [tilespmem:s25+$0x390];
	_ =	sdelay $0x4  }
0x5b: {  	vm0 =	vge.s32 v2, v0;
	vm1 =	vlt.s32 v2, v1  }
0x5c: {  	v2 =	vsub.s32 v2, v0;
	vm0 =	vmand vm0, vm1  }
0x5d: {  	v2 =	vnsel vm0, $0x3A98, v2  }
0x5e: {  	[tilespmem:$0x2710] =	vst v2  }
0x5f: {  	[spmem:s2] =	stream.indirect.scatter.add.f32 [tilespmem:s17], [sflag:$0x2], $0x80, s20, s16, $0xb8;
	[tilespmem:$0x1FC80] =	vst v63  }
0x60: {  	_ =	swait.ge [sflag:s14], $0x1000  }
0x61: {  	[sflag:s14] =	ssyncset.done $0x0  }
0x62: {  	[sflag:s14] =	ssyncadd.s32 $0xFFFFF000  }
0x63: {  	_ =	swait.ge [sflag:s18], $0x1000  }
0x64: {  	[sflag:s18] =	ssyncset.done $0x0  }
0x65: {  	s26 =	sadd.s32 $0x40, s25;
	[sflag:s18] =	ssyncadd.s32 $0xFFFFF000  }
0x66: {  	[tilespmem:s17], [sflag:$0x1] =	stream.indirect.gather [hbm4b:s5+s16], $0x80, s26, s16, $0xb8;
	[tilespmem:$0x1FC80] =	vst v63  }
0x67: {  	v2 =	vld [tilespmem:s25+$0x3A0];
	_ =	sdelay $0x4  }
0x68: {  	vm0 =	vge.s32 v2, v0;
	vm1 =	vlt.s32 v2, v1  }
0x69: {  	v2 =	vsub.s32 v2, v0;
	vm0 =	vmand vm0, vm1  }
0x6a: {  	v2 =	vnsel vm0, $0x3A98, v2  }
0x6b: {  	[tilespmem:$0x2700] =	vst v2  }
0x6c: {  	v2 =	vld [tilespmem:s25+$0x3B0];
	_ =	sdelay $0x4  }
0x6d: {  	vm0 =	vge.s32 v2, v0;
	vm1 =	vlt.s32 v2, v1  }
0x6e: {  	v2 =	vsub.s32 v2, v0;
	vm0 =	vmand vm0, vm1  }
.Ltmp2:
0x6f: {  	v2 =	vnsel vm0, $0x3A98, v2;
	(pc) =	sbr.rel @p1 .LBB2_5-.Ltmp2, $4  }
0x70: {  	[tilespmem:$0x2710] =	vst v2  }
0x71: {  	[spmem:s2] =	stream.indirect.scatter.add.f32 [tilespmem:s19], [sflag:$0x2], $0x80, s20, s16, $0xb8;
	[tilespmem:$0x1FC80] =	vst v63  }
0x72: {  	_ =	swait.ge [sflag:s14], $0x1000  }
0x73: {  	[sflag:s14] =	ssyncset.done $0x0  }
0x74: {  	[sflag:s14] =	ssyncadd.s32 $0xFFFFF000  }
0x75: {  	_ =	swait.ge [sflag:s18], $0x1000  }
0x76: {  	[sflag:s18] =	ssyncset.done $0x0  }
0x77: {  	[sflag:s18] =	ssyncadd.s32 $0xFFFFF000  }
0x78: {  	v2 =	vld [tilespmem:$0x680]  }
0x79: {  	v3 =	vld [tilespmem:$0x690];
	_ =	sdelay $0x3  }
0x7a: {  	vm0 =	vge.s32 v2, v0;
	vm1 =	vlt.s32 v2, v1;
	v2 =	vsub.s32 v2, v0  }
0x7b: {  	vm14 =	vge.s32 v3, v0;
	vm2 =	vlt.s32 v3, v1;
	vm0 =	vmand vm0, vm1  }
0x7c: {  	s23 =	sadd.s32 $0x1, s23;
	v3 =	vsub.s32 v3, v0;
	vm15 =	vmand vm14, vm2;
	v2 =	vnsel vm0, $0x3A98, v2  }
0x7d: {  	p1 =	sne.s32 s23, $0x19;
	[tilespmem:$0x2700] =	vst v2;
	v2 =	vnsel vm15, $0x3A98, v3  }
.Ltmp3:
0x7e: {  	[tilespmem:$0x2710] =	vst v2;
	(pc) =	sbr.rel @p1 .LBB2_4-.Ltmp3, $4  }
0x7f: {  	[spmem:s2] =	stream.indirect.scatter.add.f32 [tilespmem:s17], [sflag:$0x2], $0x80, s20, s16, $0xb8;
	[tilespmem:$0x1FC80] =	vst v63  }
0x80: {  	_ =	swait.ge [sflag:s14], $0x1000  }
0x81: {  	[sflag:s14] =	ssyncset.done $0x0  }
0x82: {  	[sflag:s14] =	ssyncadd.s32 $0xFFFFF000  }
.Ltmp4:
0x83: {  	(pc) =	sbr.rel @!p0 .LBB2_9-.Ltmp4, $4  }
0x84: {  	[bflag:$0x0] =	sbarrier.arrive $0xFFFF  }
0x85: {  	[hbm:s13], [sflag:s11] =	dma.local [spmem:s21], $0x780  }
0x86: {  	s22 =	sadd.s32 $0x3C000, s12;
	_ =	swait.ge [sflag:s14], $0x780  }
0x87: {  	s23 =	smov.u32 s13;
	s21 =	sadd.s32 $0xFFFFFFFF, s9;
	[sflag:s14] =	ssyncset.done $0x0  }
.LBB2_8:
0x88: {  	s24 =	sshrl.u32 s22, $0x3  }
0x89: {  	[sflag:s14] =	ssyncadd.s32 $0xFFFFF880;
	s23 =	sadd.s32 $0x7800, s23;
	p0 =	sne.s32 s21, $0x1  }
0x8a: {  	[hbm:s23], [sflag:s11] =	dma.local [spmem:s24], $0x780  }
.Ltmp5:
0x8b: {  	_ = 	snop;
	(pc) =	sbr.rel @p0 .LBB2_8-.Ltmp5, $4  }
0x8c: {  	_ = 	snop  }
0x8d: {  	s21 =	sadd.s32 $0xFFFFFFFF, s21  }
0x8e: {  	_ =	swait.ge [sflag:s14], $0x780  }
0x8f: {  	s22 =	sadd.s32 $0x3C000, s22;
	[sflag:s14] =	ssyncset.done $0x0  }
.LBB2_9:
0x90: {  	s3 =	sadd.s32 $0x1, s3  }
0x91: {  	p0 =	sne.s32 s3, s10  }
.Ltmp6:
0x92: {  	_ = 	snop;
	(pc) =	sbr.rel @p0 .LBB2_1-.Ltmp6, $2  }
0x93: {  	_ =	sdelay $0x2  }
0x94: {  	[sflag:s14] =	ssyncadd.s32 $0xFFFFF880  }
0x95: {  	_ =	sfence.sel $0x180000  }
0x96: {  	[bflag:$0x0] =	sbarrier.arrive $0xFFFF  }
0x97: {  	p0 =	sne.s32 s4, $0x0;
	_ =	strace $0x90000047  }
0x98: {  	s0 =	sadd.s32 @!p0 $0x100000, s0;
	[bflag:$0x2] =	sbarrier.arrive $0xFFFF  }
0x99: {  	[sflag:s0] =	ssyncadd.tile.s32 @!p0 $0x1;
	_ =	shalt  }
.Lfunc_end2:
_tile_overlayer_lowered:
.L_overlay_start_2:
0x9a: {  	(tag) =	ssettag $0x2  }
0x9b: {  	s0 =	rddreg [dreg:$0x0];
	s2 =	stileid.u32  }
0x9c: {  	s1 =	rddreg [dreg:$0x1];
	p0 =	sne.s32 s2, $0x0  }
0x9d: {  	s3 =	rddreg [dreg:$0x2];
	[bflag:$0x3] =	sbarrier.arrive $0xFFFF;
	s2 =	simm.s32 @!p0 $0x1C02  }
0x9e: {  	[timem:s3], [sflag:s2] =	dma.local @!p0 [hbm:s0], s1  }
0x9f: {  	s0 =	simm.s32 @!p0 $0x2  }
0xa0: {  	_ =	swait.ge @!p0 [sflag:s0], s1  }
0xa1: {  	s1 =	ssub.s32 @!p0 $0x0, s1;
	[sflag:s0] =	ssyncset.done @!p0 $0x0  }
0xa2: {  	[sflag:s0] =	ssyncadd.s32 @!p0 s1  }
0xa3: {  	[bflag:$0x3] =	sbarrier.arrive $0xFFFF  }
0xa4: {  	_ =	shalt  }

</sc_bundles>
